<compile_context>
chip_gen: v7x
topology: tpu7x:2x2x1
jax: 0.10.2.dev20260603
libtpu: 0.0.44.dev20260713+nightly
codegen_flags: <defaults>
</compile_context>

<pallas_src>
import functools
import math

import jax
import jax.numpy as jnp
from jax import lax
from jax.experimental import pallas as pl
from jax.experimental.pallas import tpu as pltpu
from jax.experimental.pallas import tpu_sc as plsc

NC = 2
NS = 16
NW = NC * NS
L = 16

V = 1000000
D = 64
DP = 128
B = 4096 * 200
SCALE = math.sqrt(D)

_mesh = plsc.VectorSubcoreMesh(core_axis_name="c", subcore_axis_name="s")

CHA = 160
NCHA = V // CHA
SLOTS = 3
KPT = -(-NCHA // NW)
NPJ = -(-KPT // SLOTS)


@functools.partial(
    pl.kernel,
    out_type=jax.ShapeDtypeStruct((V, DP), jnp.float32),
    mesh=_mesh,
    scratch_types=[
        pltpu.VMEM((SLOTS, CHA, D), jnp.float32),
        pltpu.VMEM((SLOTS, CHA, DP), jnp.float32),
        pltpu.SemaphoreType.DMA((SLOTS,)),
        pltpu.SemaphoreType.DMA((SLOTS,)),
    ],
    compiler_params=pltpu.CompilerParams(use_tc_tiling_on_sc=True),
)
def _relayout(lut_hbm, lutp_hbm, buf_r, buf_w, rsem, wsem):
    wid = lax.axis_index("s") * NC + lax.axis_index("c")
    kbase = wid * KPT

    for p in range(SLOTS):
        c = kbase + p

        @pl.when(c < NCHA)
        def _():
            pltpu.make_async_copy(
                lut_hbm.at[pl.ds(c * CHA, CHA)], buf_r.at[p], rsem.at[p]
            ).start()

    @pl.loop(0, NPJ)
    def _(j):
        for p in range(SLOTS):
            k = j * SLOTS + p
            c = kbase + k

            @pl.when((k < KPT) & (c < NCHA))
            def _():
                pltpu.make_async_copy(
                    lut_hbm.at[pl.ds(c * CHA, CHA)], buf_r.at[p], rsem.at[p]
                ).wait()

                @pl.when(k >= SLOTS)
                def _():
                    pltpu.make_async_copy(
                        buf_w.at[p],
                        lutp_hbm.at[pl.ds((c - SLOTS) * CHA, CHA)],
                        wsem.at[p],
                    ).wait()

                @pl.loop(0, CHA)
                def _(r):
                    for col in range(0, D, L):
                        buf_w.at[p, r, pl.ds(col, L)][...] = buf_r.at[
                            p, r, pl.ds(col, L)
                        ][...]

                cn = c + SLOTS

                @pl.when((k + SLOTS < KPT) & (cn < NCHA))
                def _():
                    pltpu.make_async_copy(
                        lut_hbm.at[pl.ds(cn * CHA, CHA)], buf_r.at[p], rsem.at[p]
                    ).start()

                pltpu.make_async_copy(
                    buf_w.at[p],
                    lutp_hbm.at[pl.ds(c * CHA, CHA)],
                    wsem.at[p],
                ).start()

    kmax = jnp.minimum(KPT, NCHA - kbase)
    for p in range(SLOTS):
        kl = kmax - 1 - ((kmax - 1 - p) % SLOTS)
        cl = kbase + kl

        @pl.when(kl >= 0)
        def _():
            pltpu.make_async_copy(
                buf_w.at[p],
                lutp_hbm.at[pl.ds(cl * CHA, CHA)],
                wsem.at[p],
            ).wait()


W = 128
NBUF = 4
NOB = 2
B_PER_W = B // NW
NCH = B_PER_W // W


@functools.partial(
    pl.kernel,
    out_type=jax.ShapeDtypeStruct((B, D), jnp.float32),
    mesh=_mesh,
    scratch_types=[
        pltpu.VMEM((NCH, W), jnp.int32),
        pltpu.VMEM((NBUF, W, DP), jnp.float32),
        pltpu.VMEM((NOB, W, D), jnp.float32),
        pltpu.SemaphoreType.DMA((NBUF,)),
        pltpu.SemaphoreType.DMA((NOB,)),
    ],
    compiler_params=pltpu.CompilerParams(use_tc_tiling_on_sc=True),
)
def _gather(lutp_hbm, xi_hbm, out_hbm, idx_v, rows, obuf, gsem, osem):
    wid = lax.axis_index("s") * NC + lax.axis_index("c")
    ch0 = wid * NCH
    pltpu.sync_copy(xi_hbm.at[pl.ds(ch0, NCH)], idx_v)

    for b in range(NBUF):
        pltpu.make_async_copy(
            lutp_hbm.at[idx_v.at[b]], rows.at[b], gsem.at[b]
        ).start()

    @pl.loop(0, NCH, step=NBUF)
    def _(c0):
        for bb in range(NBUF):
            c = c0 + bb
            q = bb % NOB
            pltpu.make_async_copy(
                lutp_hbm.at[idx_v.at[c]], rows.at[bb], gsem.at[bb]
            ).wait()

            def _drain():
                pltpu.make_async_copy(
                    obuf.at[q],
                    out_hbm.at[pl.ds((ch0 + c - NOB) * W, W)],
                    osem.at[q],
                ).wait()

            if bb >= NOB:
                _drain()
            else:
                pl.when(c0 > 0)(_drain)

            @pl.loop(0, W)
            def _(r):
                for col in range(0, D, L):
                    obuf.at[q, r, pl.ds(col, L)][...] = (
                        rows.at[bb, r, pl.ds(col, L)][...] * SCALE
                    )

            pltpu.make_async_copy(
                obuf.at[q], out_hbm.at[pl.ds((ch0 + c) * W, W)], osem.at[q]
            ).start()

            @pl.when(c + NBUF < NCH)
            def _():
                pltpu.make_async_copy(
                    lutp_hbm.at[idx_v.at[c + NBUF]], rows.at[bb], gsem.at[bb]
                ).start()

    for b in range(NOB):
        pltpu.make_async_copy(
            obuf.at[(NCH - NOB + b) % NOB],
            out_hbm.at[pl.ds((ch0 + NCH - NOB + b) * W, W)],
            osem.at[(NCH - NOB + b) % NOB],
        ).wait()


def kernel(x, lut):
    xi = x.reshape(B // W, W).astype(jnp.int32)
    lutp = _relayout(lut)
    out = _gather(lutp, xi)
    return out.reshape(x.shape[0], x.shape[1], D)

# --- scband reference (transcript-rebuilt; emitter-appended) ---
"""Pipeline reference for scband-embeddings-16587163697832 (READ-ONLY COPY).

The authoritative reference and input builder live on the scoring server;
editing this copy changes nothing except your own understanding.
"""

import jax, jax.numpy as jnp
import numpy as np
import math

VOCAB = 1000000
D_MODEL = 64

def setup_inputs(seed: int = 0) -> dict:
    key = jax.random.key(seed)
    k1, k2 = jax.random.split(key)
    x = jax.random.randint(k1, (4096, 200), 0, VOCAB, dtype=jnp.int64 if jax.config.jax_enable_x64 else jnp.int32)
    lut = jax.random.normal(k2, (VOCAB, D_MODEL), dtype=jnp.float32)
    return {"x": x, "lut": lut}

def reference(x, lut):
    # Embeddings.forward: self.lut(x) * sqrt(d_model)
    emb = jnp.take(lut, x, axis=0)
    return emb * math.sqrt(D_MODEL)

if __name__ == "__main__":
    import jax
    _d = setup_inputs()
    print(jax.jit(kernel)(*tuple(_d.values())))

</pallas_src>

<mosaic_0001>
#map = affine_map<(d0, d1) -> (0, 0)>
module attributes {stable_mosaic.version = 14 : i64} {
  func.func @_relayout(%arg0: i32, %arg1: i32, %arg2: memref<1000000x64xf32, #tpu.memory_space<hbm>>, %arg3: memref<1000000x128xf32, #tpu.memory_space<hbm>>, %arg4: memref<3x160x64xf32, #tpu.memory_space<vmem>>, %arg5: memref<3x160x128xf32, #tpu.memory_space<vmem>>, %arg6: memref<3x!tpu.dma_semaphore, #tpu.memory_space<semaphore_mem>>, %arg7: memref<3x!tpu.dma_semaphore, #tpu.memory_space<semaphore_mem>>) attributes {dimension_semantics = [#tpu.dimension_semantics<core_parallel>, #tpu.dimension_semantics<subcore_parallel>], iteration_bounds = array<i64: 2, 16>, scalar_prefetch = 0 : i64, scratch_operands = 4 : i64, tpu.core_type = #tpu.core_type<sc_vector_subcore>, window_params = [{transform_indices = #map}, {transform_indices = #map}]} {
    %mul3A = arith.constant 2 : i32
    %mul3A_0 = arith.muli %arg1, %mul3A : i32
    %add3A = arith.addi %mul3A_0, %arg0 : i32
    %mul3A_1 = arith.constant 196 : i32
    %mul3A_2 = arith.muli %add3A, %mul3A_1 : i32
    %add3A_3 = arith.constant 0 : i32
    %add3A_4 = arith.addi %mul3A_2, %add3A_3 : i32
    %lt3A = arith.constant 6250 : i32
    %lt3A_5 = arith.cmpi slt, %add3A_4, %lt3A : i32
    %convert_element_type3A = arith.extui %lt3A_5 : i1 to i32
    %cond3A = arith.constant 0 : i32
    %cond3A_6 = arith.cmpi ne, %convert_element_type3A, %cond3A : i32
    scf.if %cond3A_6 {
      %mul3A_107 = arith.constant 160 : i32
      %mul3A_108 = arith.muli %add3A_4, %mul3A_107 : i32
      %dma_start3A = arith.constant 0 : i32
      %dma_start3A_109 = arith.constant 0 : i32
      %dma_start3A_110 = arith.constant 0 : i32
      %dma_start3A_111 = arith.constant 0 : i32
      %dma_start3A_112 = tpu.memref_slice %arg4[%dma_start3A, %dma_start3A_110, %dma_start3A_111] : memref<3x160x64xf32, #tpu.memory_space<vmem>> -> memref<1x160x64xf32, #tpu.memory_space<vmem>>
      %dma_start3A_113 = tpu.memref_squeeze %dma_start3A_112 : memref<1x160x64xf32, #tpu.memory_space<vmem>> -> memref<160x64xf32, #tpu.memory_space<vmem>>
      %dma_start3A_114 = arith.constant 0 : i32
      %dma_start3A_115 = tpu.memref_slice %arg2[%mul3A_108, %dma_start3A_114] : memref<1000000x64xf32, #tpu.memory_space<hbm>> -> memref<160x64xf32, #tpu.memory_space<hbm>>
      %dma_start3A_116 = tpu.memref_slice %arg6[%dma_start3A_109] : memref<3x!tpu.dma_semaphore, #tpu.memory_space<semaphore_mem>> -> memref<1x!tpu.dma_semaphore, #tpu.memory_space<semaphore_mem>>
      %dma_start3A_117 = tpu.memref_squeeze %dma_start3A_116 : memref<1x!tpu.dma_semaphore, #tpu.memory_space<semaphore_mem>> -> memref<!tpu.dma_semaphore, #tpu.memory_space<semaphore_mem>>
      %dma_start3A_118 = arith.constant 0 : i32
      %dma_start3A_119 = arith.constant 0 : i32
      %dma_start3A_120 = tpu.memref_slice %arg4[%dma_start3A, %dma_start3A_118, %dma_start3A_119] : memref<3x160x64xf32, #tpu.memory_space<vmem>> -> memref<1x160x64xf32, #tpu.memory_space<vmem>>
      %dma_start3A_121 = tpu.memref_squeeze %dma_start3A_120 : memref<1x160x64xf32, #tpu.memory_space<vmem>> -> memref<160x64xf32, #tpu.memory_space<vmem>>
      %dma_start3A_122 = arith.constant 0 : i32
      %dma_start3A_123 = tpu.memref_slice %arg2[%mul3A_108, %dma_start3A_122] : memref<1000000x64xf32, #tpu.memory_space<hbm>> -> memref<160x64xf32, #tpu.memory_space<hbm>>
      tpu.enqueue_dma source(%dma_start3A_123 : memref<160x64xf32, #tpu.memory_space<hbm>>) target(%dma_start3A_121 : memref<160x64xf32, #tpu.memory_space<vmem>>) target_semaphore(%dma_start3A_117 : memref<!tpu.dma_semaphore, #tpu.memory_space<semaphore_mem>>)
    } else {
    }
    %add3A_7 = arith.constant 1 : i32
    %add3A_8 = arith.addi %mul3A_2, %add3A_7 : i32
    %lt3A_9 = arith.constant 6250 : i32
    %lt3A_10 = arith.cmpi slt, %add3A_8, %lt3A_9 : i32
    %convert_element_type3A_11 = arith.extui %lt3A_10 : i1 to i32
    %cond3A_12 = arith.constant 0 : i32
    %cond3A_13 = arith.cmpi ne, %convert_element_type3A_11, %cond3A_12 : i32
    scf.if %cond3A_13 {
      %mul3A_107 = arith.constant 160 : i32
      %mul3A_108 = arith.muli %add3A_8, %mul3A_107 : i32
      %dma_start3A = arith.constant 1 : i32
      %dma_start3A_109 = arith.constant 1 : i32
      %dma_start3A_110 = arith.constant 0 : i32
      %dma_start3A_111 = arith.constant 0 : i32
      %dma_start3A_112 = tpu.memref_slice %arg4[%dma_start3A, %dma_start3A_110, %dma_start3A_111] : memref<3x160x64xf32, #tpu.memory_space<vmem>> -> memref<1x160x64xf32, #tpu.memory_space<vmem>>
      %dma_start3A_113 = tpu.memref_squeeze %dma_start3A_112 : memref<1x160x64xf32, #tpu.memory_space<vmem>> -> memref<160x64xf32, #tpu.memory_space<vmem>>
      %dma_start3A_114 = arith.constant 0 : i32
      %dma_start3A_115 = tpu.memref_slice %arg2[%mul3A_108, %dma_start3A_114] : memref<1000000x64xf32, #tpu.memory_space<hbm>> -> memref<160x64xf32, #tpu.memory_space<hbm>>
      %dma_start3A_116 = tpu.memref_slice %arg6[%dma_start3A_109] : memref<3x!tpu.dma_semaphore, #tpu.memory_space<semaphore_mem>> -> memref<1x!tpu.dma_semaphore, #tpu.memory_space<semaphore_mem>>
      %dma_start3A_117 = tpu.memref_squeeze %dma_start3A_116 : memref<1x!tpu.dma_semaphore, #tpu.memory_space<semaphore_mem>> -> memref<!tpu.dma_semaphore, #tpu.memory_space<semaphore_mem>>
      %dma_start3A_118 = arith.constant 0 : i32
      %dma_start3A_119 = arith.constant 0 : i32
      %dma_start3A_120 = tpu.memref_slice %arg4[%dma_start3A, %dma_start3A_118, %dma_start3A_119] : memref<3x160x64xf32, #tpu.memory_space<vmem>> -> memref<1x160x64xf32, #tpu.memory_space<vmem>>
      %dma_start3A_121 = tpu.memref_squeeze %dma_start3A_120 : memref<1x160x64xf32, #tpu.memory_space<vmem>> -> memref<160x64xf32, #tpu.memory_space<vmem>>
      %dma_start3A_122 = arith.constant 0 : i32
      %dma_start3A_123 = tpu.memref_slice %arg2[%mul3A_108, %dma_start3A_122] : memref<1000000x64xf32, #tpu.memory_space<hbm>> -> memref<160x64xf32, #tpu.memory_space<hbm>>
      tpu.enqueue_dma source(%dma_start3A_123 : memref<160x64xf32, #tpu.memory_space<hbm>>) target(%dma_start3A_121 : memref<160x64xf32, #tpu.memory_space<vmem>>) target_semaphore(%dma_start3A_117 : memref<!tpu.dma_semaphore, #tpu.memory_space<semaphore_mem>>)
    } else {
    }
    %add3A_14 = arith.constant 2 : i32
    %add3A_15 = arith.addi %mul3A_2, %add3A_14 : i32
    %lt3A_16 = arith.constant 6250 : i32
    %lt3A_17 = arith.cmpi slt, %add3A_15, %lt3A_16 : i32
    %convert_element_type3A_18 = arith.extui %lt3A_17 : i1 to i32
    %cond3A_19 = arith.constant 0 : i32
    %cond3A_20 = arith.cmpi ne, %convert_element_type3A_18, %cond3A_19 : i32
    scf.if %cond3A_20 {
      %mul3A_107 = arith.constant 160 : i32
      %mul3A_108 = arith.muli %add3A_15, %mul3A_107 : i32
      %dma_start3A = arith.constant 2 : i32
      %dma_start3A_109 = arith.constant 2 : i32
      %dma_start3A_110 = arith.constant 0 : i32
      %dma_start3A_111 = arith.constant 0 : i32
      %dma_start3A_112 = tpu.memref_slice %arg4[%dma_start3A, %dma_start3A_110, %dma_start3A_111] : memref<3x160x64xf32, #tpu.memory_space<vmem>> -> memref<1x160x64xf32, #tpu.memory_space<vmem>>
      %dma_start3A_113 = tpu.memref_squeeze %dma_start3A_112 : memref<1x160x64xf32, #tpu.memory_space<vmem>> -> memref<160x64xf32, #tpu.memory_space<vmem>>
      %dma_start3A_114 = arith.constant 0 : i32
      %dma_start3A_115 = tpu.memref_slice %arg2[%mul3A_108, %dma_start3A_114] : memref<1000000x64xf32, #tpu.memory_space<hbm>> -> memref<160x64xf32, #tpu.memory_space<hbm>>
      %dma_start3A_116 = tpu.memref_slice %arg6[%dma_start3A_109] : memref<3x!tpu.dma_semaphore, #tpu.memory_space<semaphore_mem>> -> memref<1x!tpu.dma_semaphore, #tpu.memory_space<semaphore_mem>>
      %dma_start3A_117 = tpu.memref_squeeze %dma_start3A_116 : memref<1x!tpu.dma_semaphore, #tpu.memory_space<semaphore_mem>> -> memref<!tpu.dma_semaphore, #tpu.memory_space<semaphore_mem>>
      %dma_start3A_118 = arith.constant 0 : i32
      %dma_start3A_119 = arith.constant 0 : i32
      %dma_start3A_120 = tpu.memref_slice %arg4[%dma_start3A, %dma_start3A_118, %dma_start3A_119] : memref<3x160x64xf32, #tpu.memory_space<vmem>> -> memref<1x160x64xf32, #tpu.memory_space<vmem>>
      %dma_start3A_121 = tpu.memref_squeeze %dma_start3A_120 : memref<1x160x64xf32, #tpu.memory_space<vmem>> -> memref<160x64xf32, #tpu.memory_space<vmem>>
      %dma_start3A_122 = arith.constant 0 : i32
      %dma_start3A_123 = tpu.memref_slice %arg2[%mul3A_108, %dma_start3A_122] : memref<1000000x64xf32, #tpu.memory_space<hbm>> -> memref<160x64xf32, #tpu.memory_space<hbm>>
      tpu.enqueue_dma source(%dma_start3A_123 : memref<160x64xf32, #tpu.memory_space<hbm>>) target(%dma_start3A_121 : memref<160x64xf32, #tpu.memory_space<vmem>>) target_semaphore(%dma_start3A_117 : memref<!tpu.dma_semaphore, #tpu.memory_space<semaphore_mem>>)
    } else {
    }
    %scan3A = arith.constant 0 : i32
    %scan3A_21 = arith.constant 66 : i32
    %scan3A_22 = arith.addi %scan3A, %scan3A_21 : i32
    %scan3A_23 = arith.constant 1 : i32
    scf.for %scan3A_107 = %scan3A to %scan3A_22 step %scan3A_23  : i32 {
      %mul3A_108 = arith.constant 1 : i32
      %mul3A_109 = arith.muli %scan3A_107, %mul3A_108 : i32
      %add3A_110 = arith.constant 0 : i32
      %add3A_111 = arith.addi %add3A_110, %mul3A_109 : i32
      %mul3A_112 = arith.constant 3 : i32
      %mul3A_113 = arith.muli %add3A_111, %mul3A_112 : i32
      %add3A_114 = arith.constant 0 : i32
      %add3A_115 = arith.addi %mul3A_113, %add3A_114 : i32
      %add3A_116 = arith.addi %mul3A_2, %add3A_115 : i32
      %lt3A_117 = arith.constant 196 : i32
      %lt3A_118 = arith.cmpi slt, %add3A_115, %lt3A_117 : i32
      %lt3A_119 = arith.constant 6250 : i32
      %lt3A_120 = arith.cmpi slt, %add3A_116, %lt3A_119 : i32
      %and3A_121 = arith.andi %lt3A_118, %lt3A_120 : i1
      %convert_element_type3A_122 = arith.extui %and3A_121 : i1 to i32
      %cond3A_123 = arith.constant 0 : i32
      %cond3A_124 = arith.cmpi ne, %convert_element_type3A_122, %cond3A_123 : i32
      scf.if %cond3A_124 {
        %mul3A_151 = arith.constant 160 : i32
        %mul3A_152 = arith.muli %add3A_116, %mul3A_151 : i32
        %dma_wait3A = arith.constant 0 : i32
        %dma_wait3A_153 = arith.constant 0 : i32
        %dma_wait3A_154 = arith.constant 0 : i32
        %dma_wait3A_155 = arith.constant 0 : i32
        %dma_wait3A_156 = tpu.memref_slice %arg4[%dma_wait3A, %dma_wait3A_154, %dma_wait3A_155] : memref<3x160x64xf32, #tpu.memory_space<vmem>> -> memref<1x160x64xf32, #tpu.memory_space<vmem>>
        %dma_wait3A_157 = tpu.memref_squeeze %dma_wait3A_156 : memref<1x160x64xf32, #tpu.memory_space<vmem>> -> memref<160x64xf32, #tpu.memory_space<vmem>>
        %dma_wait3A_158 = arith.constant 0 : i32
        %dma_wait3A_159 = tpu.memref_slice %arg2[%mul3A_152, %dma_wait3A_158] : memref<1000000x64xf32, #tpu.memory_space<hbm>> -> memref<160x64xf32, #tpu.memory_space<hbm>>
        %dma_wait3A_160 = tpu.memref_slice %arg6[%dma_wait3A_153] : memref<3x!tpu.dma_semaphore, #tpu.memory_space<semaphore_mem>> -> memref<1x!tpu.dma_semaphore, #tpu.memory_space<semaphore_mem>>
        %dma_wait3A_161 = tpu.memref_squeeze %dma_wait3A_160 : memref<1x!tpu.dma_semaphore, #tpu.memory_space<semaphore_mem>> -> memref<!tpu.dma_semaphore, #tpu.memory_space<semaphore_mem>>
        %dma_wait3A_162 = arith.constant 0 : i32
        %dma_wait3A_163 = arith.constant 0 : i32
        %dma_wait3A_164 = tpu.memref_slice %arg4[%dma_wait3A, %dma_wait3A_162, %dma_wait3A_163] : memref<3x160x64xf32, #tpu.memory_space<vmem>> -> memref<1x160x64xf32, #tpu.memory_space<vmem>>
        %dma_wait3A_165 = tpu.memref_squeeze %dma_wait3A_164 : memref<1x160x64xf32, #tpu.memory_space<vmem>> -> memref<160x64xf32, #tpu.memory_space<vmem>>
        %dma_wait3A_166 = arith.constant 0 : i32
        %dma_wait3A_167 = tpu.memref_slice %arg2[%mul3A_152, %dma_wait3A_166] : memref<1000000x64xf32, #tpu.memory_space<hbm>> -> memref<160x64xf32, #tpu.memory_space<hbm>>
        tpu.wait_dma2 semaphore(%dma_wait3A_161 : memref<!tpu.dma_semaphore, #tpu.memory_space<semaphore_mem>>) src(%dma_wait3A_167 : memref<160x64xf32, #tpu.memory_space<hbm>>) dst(%dma_wait3A_165 : memref<160x64xf32, #tpu.memory_space<vmem>>)
        %ge3A_168 = arith.constant 3 : i32
        %ge3A_169 = arith.cmpi sge, %add3A_115, %ge3A_168 : i32
        %convert_element_type3A_170 = arith.extui %ge3A_169 : i1 to i32
        %cond3A_171 = arith.constant 0 : i32
        %cond3A_172 = arith.cmpi ne, %convert_element_type3A_170, %cond3A_171 : i32
        scf.if %cond3A_172 {
          %sub3A_207 = arith.constant 3 : i32
          %sub3A_208 = arith.subi %add3A_116, %sub3A_207 : i32
          %mul3A_209 = arith.constant 160 : i32
          %mul3A_210 = arith.muli %sub3A_208, %mul3A_209 : i32
          %dma_wait3A_211 = arith.constant 0 : i32
          %dma_wait3A_212 = arith.constant 0 : i32
          %dma_wait3A_213 = arith.constant 0 : i32
          %dma_wait3A_214 = arith.constant 0 : i32
          %dma_wait3A_215 = tpu.memref_slice %arg5[%dma_wait3A_211, %dma_wait3A_213, %dma_wait3A_214] : memref<3x160x128xf32, #tpu.memory_space<vmem>> -> memref<1x160x128xf32, #tpu.memory_space<vmem>>
          %dma_wait3A_216 = tpu.memref_squeeze %dma_wait3A_215 : memref<1x160x128xf32, #tpu.memory_space<vmem>> -> memref<160x128xf32, #tpu.memory_space<vmem>>
          %dma_wait3A_217 = arith.constant 0 : i32
          %dma_wait3A_218 = tpu.memref_slice %arg3[%mul3A_210, %dma_wait3A_217] : memref<1000000x128xf32, #tpu.memory_space<hbm>> -> memref<160x128xf32, #tpu.memory_space<hbm>>
          %dma_wait3A_219 = tpu.memref_slice %arg7[%dma_wait3A_212] : memref<3x!tpu.dma_semaphore, #tpu.memory_space<semaphore_mem>> -> memref<1x!tpu.dma_semaphore, #tpu.memory_space<semaphore_mem>>
          %dma_wait3A_220 = tpu.memref_squeeze %dma_wait3A_219 : memref<1x!tpu.dma_semaphore, #tpu.memory_space<semaphore_mem>> -> memref<!tpu.dma_semaphore, #tpu.memory_space<semaphore_mem>>
          %dma_wait3A_221 = arith.constant 0 : i32
          %dma_wait3A_222 = tpu.memref_slice %arg3[%mul3A_210, %dma_wait3A_221] : memref<1000000x128xf32, #tpu.memory_space<hbm>> -> memref<160x128xf32, #tpu.memory_space<hbm>>
          %dma_wait3A_223 = arith.constant 0 : i32
          %dma_wait3A_224 = arith.constant 0 : i32
          %dma_wait3A_225 = tpu.memref_slice %arg5[%dma_wait3A_211, %dma_wait3A_223, %dma_wait3A_224] : memref<3x160x128xf32, #tpu.memory_space<vmem>> -> memref<1x160x128xf32, #tpu.memory_space<vmem>>
          %dma_wait3A_226 = tpu.memref_squeeze %dma_wait3A_225 : memref<1x160x128xf32, #tpu.memory_space<vmem>> -> memref<160x128xf32, #tpu.memory_space<vmem>>
          tpu.wait_dma2 semaphore(%dma_wait3A_220 : memref<!tpu.dma_semaphore, #tpu.memory_space<semaphore_mem>>) src(%dma_wait3A_226 : memref<160x128xf32, #tpu.memory_space<vmem>>) dst(%dma_wait3A_222 : memref<160x128xf32, #tpu.memory_space<hbm>>)
        } else {
        }
        %scan3A_173 = arith.constant 0 : i32
        %scan3A_174 = arith.constant 160 : i32
        %scan3A_175 = arith.addi %scan3A_173, %scan3A_174 : i32
        %scan3A_176 = arith.constant 1 : i32
        scf.for %scan3A_207 = %scan3A_173 to %scan3A_175 step %scan3A_176  : i32 {
          %mul3A_208 = arith.constant 1 : i32
          %mul3A_209 = arith.muli %scan3A_207, %mul3A_208 : i32
          %add3A_210 = arith.constant 0 : i32
          %add3A_211 = arith.addi %add3A_210, %mul3A_209 : i32
          %get3A = arith.constant 0 : i32
          %get3A_212 = arith.index_cast %get3A : i32 to index
          %get3A_213 = arith.index_cast %add3A_211 : i32 to index
          %get3A_214 = arith.constant 0 : index
          %get3A_215 = tpu.vector_load %arg4[%get3A_212, %get3A_213, %get3A_214] {strides = array<i32>} : memref<3x160x64xf32, #tpu.memory_space<vmem>>, vector<1x1x16xf32>,
          %get3A_216 = vector.shape_cast %get3A_215 : vector<1x1x16xf32> to vector<16xf32>
          %swap3A = arith.constant 0 : i32
          %swap3A_217 = arith.index_cast %swap3A : i32 to index
          %swap3A_218 = arith.index_cast %add3A_211 : i32 to index
          %swap3A_219 = arith.constant 0 : index
          %swap3A_220 = tpu.vector_load %arg5[%swap3A_217, %swap3A_218, %swap3A_219] {strides = array<i32>} : memref<3x160x128xf32, #tpu.memory_space<vmem>>, vector<1x1x16xf32>,
          %swap3A_221 = vector.shape_cast %swap3A_220 : vector<1x1x16xf32> to vector<16xf32>
          %swap3A_222 = vector.shape_cast %get3A_216 : vector<16xf32> to vector<1x1x16xf32>
          tpu.vector_store %arg5[%swap3A_217, %swap3A_218, %swap3A_219], %swap3A_222 {strides = array<i32>} : memref<3x160x128xf32, #tpu.memory_space<vmem>>, vector<1x1x16xf32>,
          %get3A_223 = arith.constant 0 : i32
          %get3A_224 = arith.index_cast %get3A_223 : i32 to index
          %get3A_225 = arith.index_cast %add3A_211 : i32 to index
          %get3A_226 = arith.constant 16 : index
          %get3A_227 = tpu.vector_load %arg4[%get3A_224, %get3A_225, %get3A_226] {strides = array<i32>} : memref<3x160x64xf32, #tpu.memory_space<vmem>>, vector<1x1x16xf32>,
          %get3A_228 = vector.shape_cast %get3A_227 : vector<1x1x16xf32> to vector<16xf32>
          %swap3A_229 = arith.constant 0 : i32
          %swap3A_230 = arith.index_cast %swap3A_229 : i32 to index
          %swap3A_231 = arith.index_cast %add3A_211 : i32 to index
          %swap3A_232 = arith.constant 16 : index
          %swap3A_233 = tpu.vector_load %arg5[%swap3A_230, %swap3A_231, %swap3A_232] {strides = array<i32>} : memref<3x160x128xf32, #tpu.memory_space<vmem>>, vector<1x1x16xf32>,
          %swap3A_234 = vector.shape_cast %swap3A_233 : vector<1x1x16xf32> to vector<16xf32>
          %swap3A_235 = vector.shape_cast %get3A_228 : vector<16xf32> to vector<1x1x16xf32>
          tpu.vector_store %arg5[%swap3A_230, %swap3A_231, %swap3A_232], %swap3A_235 {strides = array<i32>} : memref<3x160x128xf32, #tpu.memory_space<vmem>>, vector<1x1x16xf32>,
          %get3A_236 = arith.constant 0 : i32
          %get3A_237 = arith.index_cast %get3A_236 : i32 to index
          %get3A_238 = arith.index_cast %add3A_211 : i32 to index
          %get3A_239 = arith.constant 32 : index
          %get3A_240 = tpu.vector_load %arg4[%get3A_237, %get3A_238, %get3A_239] {strides = array<i32>} : memref<3x160x64xf32, #tpu.memory_space<vmem>>, vector<1x1x16xf32>,
          %get3A_241 = vector.shape_cast %get3A_240 : vector<1x1x16xf32> to vector<16xf32>
          %swap3A_242 = arith.constant 0 : i32
          %swap3A_243 = arith.index_cast %swap3A_242 : i32 to index
          %swap3A_244 = arith.index_cast %add3A_211 : i32 to index
          %swap3A_245 = arith.constant 32 : index
          %swap3A_246 = tpu.vector_load %arg5[%swap3A_243, %swap3A_244, %swap3A_245] {strides = array<i32>} : memref<3x160x128xf32, #tpu.memory_space<vmem>>, vector<1x1x16xf32>,
          %swap3A_247 = vector.shape_cast %swap3A_246 : vector<1x1x16xf32> to vector<16xf32>
          %swap3A_248 = vector.shape_cast %get3A_241 : vector<16xf32> to vector<1x1x16xf32>
          tpu.vector_store %arg5[%swap3A_243, %swap3A_244, %swap3A_245], %swap3A_248 {strides = array<i32>} : memref<3x160x128xf32, #tpu.memory_space<vmem>>, vector<1x1x16xf32>,
          %get3A_249 = arith.constant 0 : i32
          %get3A_250 = arith.index_cast %get3A_249 : i32 to index
          %get3A_251 = arith.index_cast %add3A_211 : i32 to index
          %get3A_252 = arith.constant 48 : index
          %get3A_253 = tpu.vector_load %arg4[%get3A_250, %get3A_251, %get3A_252] {strides = array<i32>} : memref<3x160x64xf32, #tpu.memory_space<vmem>>, vector<1x1x16xf32>,
          %get3A_254 = vector.shape_cast %get3A_253 : vector<1x1x16xf32> to vector<16xf32>
          %swap3A_255 = arith.constant 0 : i32
          %swap3A_256 = arith.index_cast %swap3A_255 : i32 to index
          %swap3A_257 = arith.index_cast %add3A_211 : i32 to index
          %swap3A_258 = arith.constant 48 : index
          %swap3A_259 = tpu.vector_load %arg5[%swap3A_256, %swap3A_257, %swap3A_258] {strides = array<i32>} : memref<3x160x128xf32, #tpu.memory_space<vmem>>, vector<1x1x16xf32>,
          %swap3A_260 = vector.shape_cast %swap3A_259 : vector<1x1x16xf32> to vector<16xf32>
          %swap3A_261 = vector.shape_cast %get3A_254 : vector<16xf32> to vector<1x1x16xf32>
          tpu.vector_store %arg5[%swap3A_256, %swap3A_257, %swap3A_258], %swap3A_261 {strides = array<i32>} : memref<3x160x128xf32, #tpu.memory_space<vmem>>, vector<1x1x16xf32>,
        }
        %scan3A_177 = arith.constant 160 : i32
        %add3A_178 = arith.constant 3 : i32
        %add3A_179 = arith.addi %add3A_116, %add3A_178 : i32
        %add3A_180 = arith.constant 3 : i32
        %add3A_181 = arith.addi %add3A_115, %add3A_180 : i32
        %lt3A_182 = arith.constant 196 : i32
        %lt3A_183 = arith.cmpi slt, %add3A_181, %lt3A_182 : i32
        %lt3A_184 = arith.constant 6250 : i32
        %lt3A_185 = arith.cmpi slt, %add3A_179, %lt3A_184 : i32
        %and3A_186 = arith.andi %lt3A_183, %lt3A_185 : i1
        %convert_element_type3A_187 = arith.extui %and3A_186 : i1 to i32
        %cond3A_188 = arith.constant 0 : i32
        %cond3A_189 = arith.cmpi ne, %convert_element_type3A_187, %cond3A_188 : i32
        scf.if %cond3A_189 {
          %mul3A_207 = arith.constant 160 : i32
          %mul3A_208 = arith.muli %add3A_179, %mul3A_207 : i32
          %dma_start3A_209 = arith.constant 0 : i32
          %dma_start3A_210 = arith.constant 0 : i32
          %dma_start3A_211 = arith.constant 0 : i32
          %dma_start3A_212 = arith.constant 0 : i32
          %dma_start3A_213 = tpu.memref_slice %arg4[%dma_start3A_209, %dma_start3A_211, %dma_start3A_212] : memref<3x160x64xf32, #tpu.memory_space<vmem>> -> memref<1x160x64xf32, #tpu.memory_space<vmem>>
          %dma_start3A_214 = tpu.memref_squeeze %dma_start3A_213 : memref<1x160x64xf32, #tpu.memory_space<vmem>> -> memref<160x64xf32, #tpu.memory_space<vmem>>
          %dma_start3A_215 = arith.constant 0 : i32
          %dma_start3A_216 = tpu.memref_slice %arg2[%mul3A_208, %dma_start3A_215] : memref<1000000x64xf32, #tpu.memory_space<hbm>> -> memref<160x64xf32, #tpu.memory_space<hbm>>
          %dma_start3A_217 = tpu.memref_slice %arg6[%dma_start3A_210] : memref<3x!tpu.dma_semaphore, #tpu.memory_space<semaphore_mem>> -> memref<1x!tpu.dma_semaphore, #tpu.memory_space<semaphore_mem>>
          %dma_start3A_218 = tpu.memref_squeeze %dma_start3A_217 : memref<1x!tpu.dma_semaphore, #tpu.memory_space<semaphore_mem>> -> memref<!tpu.dma_semaphore, #tpu.memory_space<semaphore_mem>>
          %dma_start3A_219 = arith.constant 0 : i32
          %dma_start3A_220 = arith.constant 0 : i32
          %dma_start3A_221 = tpu.memref_slice %arg4[%dma_start3A_209, %dma_start3A_219, %dma_start3A_220] : memref<3x160x64xf32, #tpu.memory_space<vmem>> -> memref<1x160x64xf32, #tpu.memory_space<vmem>>
          %dma_start3A_222 = tpu.memref_squeeze %dma_start3A_221 : memref<1x160x64xf32, #tpu.memory_space<vmem>> -> memref<160x64xf32, #tpu.memory_space<vmem>>
          %dma_start3A_223 = arith.constant 0 : i32
          %dma_start3A_224 = tpu.memref_slice %arg2[%mul3A_208, %dma_start3A_223] : memref<1000000x64xf32, #tpu.memory_space<hbm>> -> memref<160x64xf32, #tpu.memory_space<hbm>>
          tpu.enqueue_dma source(%dma_start3A_224 : memref<160x64xf32, #tpu.memory_space<hbm>>) target(%dma_start3A_222 : memref<160x64xf32, #tpu.memory_space<vmem>>) target_semaphore(%dma_start3A_218 : memref<!tpu.dma_semaphore, #tpu.memory_space<semaphore_mem>>)
        } else {
        }
        %mul3A_190 = arith.constant 160 : i32
        %mul3A_191 = arith.muli %add3A_116, %mul3A_190 : i32
        %dma_start3A = arith.constant 0 : i32
        %dma_start3A_192 = arith.constant 0 : i32
        %dma_start3A_193 = arith.constant 0 : i32
        %dma_start3A_194 = arith.constant 0 : i32
        %dma_start3A_195 = tpu.memref_slice %arg5[%dma_start3A, %dma_start3A_193, %dma_start3A_194] : memref<3x160x128xf32, #tpu.memory_space<vmem>> -> memref<1x160x128xf32, #tpu.memory_space<vmem>>
        %dma_start3A_196 = tpu.memref_squeeze %dma_start3A_195 : memref<1x160x128xf32, #tpu.memory_space<vmem>> -> memref<160x128xf32, #tpu.memory_space<vmem>>
        %dma_start3A_197 = arith.constant 0 : i32
        %dma_start3A_198 = tpu.memref_slice %arg3[%mul3A_191, %dma_start3A_197] : memref<1000000x128xf32, #tpu.memory_space<hbm>> -> memref<160x128xf32, #tpu.memory_space<hbm>>
        %dma_start3A_199 = tpu.memref_slice %arg7[%dma_start3A_192] : memref<3x!tpu.dma_semaphore, #tpu.memory_space<semaphore_mem>> -> memref<1x!tpu.dma_semaphore, #tpu.memory_space<semaphore_mem>>
        %dma_start3A_200 = tpu.memref_squeeze %dma_start3A_199 : memref<1x!tpu.dma_semaphore, #tpu.memory_space<semaphore_mem>> -> memref<!tpu.dma_semaphore, #tpu.memory_space<semaphore_mem>>
        %dma_start3A_201 = arith.constant 0 : i32
        %dma_start3A_202 = tpu.memref_slice %arg3[%mul3A_191, %dma_start3A_201] : memref<1000000x128xf32, #tpu.memory_space<hbm>> -> memref<160x128xf32, #tpu.memory_space<hbm>>
        %dma_start3A_203 = arith.constant 0 : i32
        %dma_start3A_204 = arith.constant 0 : i32
        %dma_start3A_205 = tpu.memref_slice %arg5[%dma_start3A, %dma_start3A_203, %dma_start3A_204] : memref<3x160x128xf32, #tpu.memory_space<vmem>> -> memref<1x160x128xf32, #tpu.memory_space<vmem>>
        %dma_start3A_206 = tpu.memref_squeeze %dma_start3A_205 : memref<1x160x128xf32, #tpu.memory_space<vmem>> -> memref<160x128xf32, #tpu.memory_space<vmem>>
        tpu.enqueue_dma source(%dma_start3A_206 : memref<160x128xf32, #tpu.memory_space<vmem>>) target(%dma_start3A_202 : memref<160x128xf32, #tpu.memory_space<hbm>>) target_semaphore(%dma_start3A_200 : memref<!tpu.dma_semaphore, #tpu.memory_space<semaphore_mem>>)
      } else {
      }
      %mul3A_125 = arith.constant 3 : i32
      %mul3A_126 = arith.muli %add3A_111, %mul3A_125 : i32
      %add3A_127 = arith.constant 1 : i32
      %add3A_128 = arith.addi %mul3A_126, %add3A_127 : i32
      %add3A_129 = arith.addi %mul3A_2, %add3A_128 : i32
      %lt3A_130 = arith.constant 196 : i32
      %lt3A_131 = arith.cmpi slt, %add3A_128, %lt3A_130 : i32
      %lt3A_132 = arith.constant 6250 : i32
      %lt3A_133 = arith.cmpi slt, %add3A_129, %lt3A_132 : i32
      %and3A_134 = arith.andi %lt3A_131, %lt3A_133 : i1
      %convert_element_type3A_135 = arith.extui %and3A_134 : i1 to i32
      %cond3A_136 = arith.constant 0 : i32
      %cond3A_137 = arith.cmpi ne, %convert_element_type3A_135, %cond3A_136 : i32
      scf.if %cond3A_137 {
        %mul3A_151 = arith.constant 160 : i32
        %mul3A_152 = arith.muli %add3A_129, %mul3A_151 : i32
        %dma_wait3A = arith.constant 1 : i32
        %dma_wait3A_153 = arith.constant 1 : i32
        %dma_wait3A_154 = arith.constant 0 : i32
        %dma_wait3A_155 = arith.constant 0 : i32
        %dma_wait3A_156 = tpu.memref_slice %arg4[%dma_wait3A, %dma_wait3A_154, %dma_wait3A_155] : memref<3x160x64xf32, #tpu.memory_space<vmem>> -> memref<1x160x64xf32, #tpu.memory_space<vmem>>
        %dma_wait3A_157 = tpu.memref_squeeze %dma_wait3A_156 : memref<1x160x64xf32, #tpu.memory_space<vmem>> -> memref<160x64xf32, #tpu.memory_space<vmem>>
        %dma_wait3A_158 = arith.constant 0 : i32
        %dma_wait3A_159 = tpu.memref_slice %arg2[%mul3A_152, %dma_wait3A_158] : memref<1000000x64xf32, #tpu.memory_space<hbm>> -> memref<160x64xf32, #tpu.memory_space<hbm>>
        %dma_wait3A_160 = tpu.memref_slice %arg6[%dma_wait3A_153] : memref<3x!tpu.dma_semaphore, #tpu.memory_space<semaphore_mem>> -> memref<1x!tpu.dma_semaphore, #tpu.memory_space<semaphore_mem>>
        %dma_wait3A_161 = tpu.memref_squeeze %dma_wait3A_160 : memref<1x!tpu.dma_semaphore, #tpu.memory_space<semaphore_mem>> -> memref<!tpu.dma_semaphore, #tpu.memory_space<semaphore_mem>>
        %dma_wait3A_162 = arith.constant 0 : i32
        %dma_wait3A_163 = arith.constant 0 : i32
        %dma_wait3A_164 = tpu.memref_slice %arg4[%dma_wait3A, %dma_wait3A_162, %dma_wait3A_163] : memref<3x160x64xf32, #tpu.memory_space<vmem>> -> memref<1x160x64xf32, #tpu.memory_space<vmem>>
        %dma_wait3A_165 = tpu.memref_squeeze %dma_wait3A_164 : memref<1x160x64xf32, #tpu.memory_space<vmem>> -> memref<160x64xf32, #tpu.memory_space<vmem>>
        %dma_wait3A_166 = arith.constant 0 : i32
        %dma_wait3A_167 = tpu.memref_slice %arg2[%mul3A_152, %dma_wait3A_166] : memref<1000000x64xf32, #tpu.memory_space<hbm>> -> memref<160x64xf32, #tpu.memory_space<hbm>>
        tpu.wait_dma2 semaphore(%dma_wait3A_161 : memref<!tpu.dma_semaphore, #tpu.memory_space<semaphore_mem>>) src(%dma_wait3A_167 : memref<160x64xf32, #tpu.memory_space<hbm>>) dst(%dma_wait3A_165 : memref<160x64xf32, #tpu.memory_space<vmem>>)
        %ge3A_168 = arith.constant 3 : i32
        %ge3A_169 = arith.cmpi sge, %add3A_128, %ge3A_168 : i32
        %convert_element_type3A_170 = arith.extui %ge3A_169 : i1 to i32
        %cond3A_171 = arith.constant 0 : i32
        %cond3A_172 = arith.cmpi ne, %convert_element_type3A_170, %cond3A_171 : i32
        scf.if %cond3A_172 {
          %sub3A_207 = arith.constant 3 : i32
          %sub3A_208 = arith.subi %add3A_129, %sub3A_207 : i32
          %mul3A_209 = arith.constant 160 : i32
          %mul3A_210 = arith.muli %sub3A_208, %mul3A_209 : i32
          %dma_wait3A_211 = arith.constant 1 : i32
          %dma_wait3A_212 = arith.constant 1 : i32
          %dma_wait3A_213 = arith.constant 0 : i32
          %dma_wait3A_214 = arith.constant 0 : i32
          %dma_wait3A_215 = tpu.memref_slice %arg5[%dma_wait3A_211, %dma_wait3A_213, %dma_wait3A_214] : memref<3x160x128xf32, #tpu.memory_space<vmem>> -> memref<1x160x128xf32, #tpu.memory_space<vmem>>
          %dma_wait3A_216 = tpu.memref_squeeze %dma_wait3A_215 : memref<1x160x128xf32, #tpu.memory_space<vmem>> -> memref<160x128xf32, #tpu.memory_space<vmem>>
          %dma_wait3A_217 = arith.constant 0 : i32
          %dma_wait3A_218 = tpu.memref_slice %arg3[%mul3A_210, %dma_wait3A_217] : memref<1000000x128xf32, #tpu.memory_space<hbm>> -> memref<160x128xf32, #tpu.memory_space<hbm>>
          %dma_wait3A_219 = tpu.memref_slice %arg7[%dma_wait3A_212] : memref<3x!tpu.dma_semaphore, #tpu.memory_space<semaphore_mem>> -> memref<1x!tpu.dma_semaphore, #tpu.memory_space<semaphore_mem>>
          %dma_wait3A_220 = tpu.memref_squeeze %dma_wait3A_219 : memref<1x!tpu.dma_semaphore, #tpu.memory_space<semaphore_mem>> -> memref<!tpu.dma_semaphore, #tpu.memory_space<semaphore_mem>>
          %dma_wait3A_221 = arith.constant 0 : i32
          %dma_wait3A_222 = tpu.memref_slice %arg3[%mul3A_210, %dma_wait3A_221] : memref<1000000x128xf32, #tpu.memory_space<hbm>> -> memref<160x128xf32, #tpu.memory_space<hbm>>
          %dma_wait3A_223 = arith.constant 0 : i32
          %dma_wait3A_224 = arith.constant 0 : i32
          %dma_wait3A_225 = tpu.memref_slice %arg5[%dma_wait3A_211, %dma_wait3A_223, %dma_wait3A_224] : memref<3x160x128xf32, #tpu.memory_space<vmem>> -> memref<1x160x128xf32, #tpu.memory_space<vmem>>
          %dma_wait3A_226 = tpu.memref_squeeze %dma_wait3A_225 : memref<1x160x128xf32, #tpu.memory_space<vmem>> -> memref<160x128xf32, #tpu.memory_space<vmem>>
          tpu.wait_dma2 semaphore(%dma_wait3A_220 : memref<!tpu.dma_semaphore, #tpu.memory_space<semaphore_mem>>) src(%dma_wait3A_226 : memref<160x128xf32, #tpu.memory_space<vmem>>) dst(%dma_wait3A_222 : memref<160x128xf32, #tpu.memory_space<hbm>>)
        } else {
        }
        %scan3A_173 = arith.constant 0 : i32
        %scan3A_174 = arith.constant 160 : i32
        %scan3A_175 = arith.addi %scan3A_173, %scan3A_174 : i32
        %scan3A_176 = arith.constant 1 : i32
        scf.for %scan3A_207 = %scan3A_173 to %scan3A_175 step %scan3A_176  : i32 {
          %mul3A_208 = arith.constant 1 : i32
          %mul3A_209 = arith.muli %scan3A_207, %mul3A_208 : i32
          %add3A_210 = arith.constant 0 : i32
          %add3A_211 = arith.addi %add3A_210, %mul3A_209 : i32
          %get3A = arith.constant 1 : i32
          %get3A_212 = arith.index_cast %get3A : i32 to index
          %get3A_213 = arith.index_cast %add3A_211 : i32 to index
          %get3A_214 = arith.constant 0 : index
          %get3A_215 = tpu.vector_load %arg4[%get3A_212, %get3A_213, %get3A_214] {strides = array<i32>} : memref<3x160x64xf32, #tpu.memory_space<vmem>>, vector<1x1x16xf32>,
          %get3A_216 = vector.shape_cast %get3A_215 : vector<1x1x16xf32> to vector<16xf32>
          %swap3A = arith.constant 1 : i32
          %swap3A_217 = arith.index_cast %swap3A : i32 to index
          %swap3A_218 = arith.index_cast %add3A_211 : i32 to index
          %swap3A_219 = arith.constant 0 : index
          %swap3A_220 = tpu.vector_load %arg5[%swap3A_217, %swap3A_218, %swap3A_219] {strides = array<i32>} : memref<3x160x128xf32, #tpu.memory_space<vmem>>, vector<1x1x16xf32>,
          %swap3A_221 = vector.shape_cast %swap3A_220 : vector<1x1x16xf32> to vector<16xf32>
          %swap3A_222 = vector.shape_cast %get3A_216 : vector<16xf32> to vector<1x1x16xf32>
          tpu.vector_store %arg5[%swap3A_217, %swap3A_218, %swap3A_219], %swap3A_222 {strides = array<i32>} : memref<3x160x128xf32, #tpu.memory_space<vmem>>, vector<1x1x16xf32>,
          %get3A_223 = arith.constant 1 : i32
          %get3A_224 = arith.index_cast %get3A_223 : i32 to index
          %get3A_225 = arith.index_cast %add3A_211 : i32 to index
          %get3A_226 = arith.constant 16 : index
          %get3A_227 = tpu.vector_load %arg4[%get3A_224, %get3A_225, %get3A_226] {strides = array<i32>} : memref<3x160x64xf32, #tpu.memory_space<vmem>>, vector<1x1x16xf32>,
          %get3A_228 = vector.shape_cast %get3A_227 : vector<1x1x16xf32> to vector<16xf32>
          %swap3A_229 = arith.constant 1 : i32
          %swap3A_230 = arith.index_cast %swap3A_229 : i32 to index
          %swap3A_231 = arith.index_cast %add3A_211 : i32 to index
          %swap3A_232 = arith.constant 16 : index
          %swap3A_233 = tpu.vector_load %arg5[%swap3A_230, %swap3A_231, %swap3A_232] {strides = array<i32>} : memref<3x160x128xf32, #tpu.memory_space<vmem>>, vector<1x1x16xf32>,
          %swap3A_234 = vector.shape_cast %swap3A_233 : vector<1x1x16xf32> to vector<16xf32>
          %swap3A_235 = vector.shape_cast %get3A_228 : vector<16xf32> to vector<1x1x16xf32>
          tpu.vector_store %arg5[%swap3A_230, %swap3A_231, %swap3A_232], %swap3A_235 {strides = array<i32>} : memref<3x160x128xf32, #tpu.memory_space<vmem>>, vector<1x1x16xf32>,
          %get3A_236 = arith.constant 1 : i32
          %get3A_237 = arith.index_cast %get3A_236 : i32 to index
          %get3A_238 = arith.index_cast %add3A_211 : i32 to index
          %get3A_239 = arith.constant 32 : index
          %get3A_240 = tpu.vector_load %arg4[%get3A_237, %get3A_238, %get3A_239] {strides = array<i32>} : memref<3x160x64xf32, #tpu.memory_space<vmem>>, vector<1x1x16xf32>,
          %get3A_241 = vector.shape_cast %get3A_240 : vector<1x1x16xf32> to vector<16xf32>
          %swap3A_242 = arith.constant 1 : i32
          %swap3A_243 = arith.index_cast %swap3A_242 : i32 to index
          %swap3A_244 = arith.index_cast %add3A_211 : i32 to index
          %swap3A_245 = arith.constant 32 : index
          %swap3A_246 = tpu.vector_load %arg5[%swap3A_243, %swap3A_244, %swap3A_245] {strides = array<i32>} : memref<3x160x128xf32, #tpu.memory_space<vmem>>, vector<1x1x16xf32>,
          %swap3A_247 = vector.shape_cast %swap3A_246 : vector<1x1x16xf32> to vector<16xf32>
          %swap3A_248 = vector.shape_cast %get3A_241 : vector<16xf32> to vector<1x1x16xf32>
          tpu.vector_store %arg5[%swap3A_243, %swap3A_244, %swap3A_245], %swap3A_248 {strides = array<i32>} : memref<3x160x128xf32, #tpu.memory_space<vmem>>, vector<1x1x16xf32>,
          %get3A_249 = arith.constant 1 : i32
          %get3A_250 = arith.index_cast %get3A_249 : i32 to index
          %get3A_251 = arith.index_cast %add3A_211 : i32 to index
          %get3A_252 = arith.constant 48 : index
          %get3A_253 = tpu.vector_load %arg4[%get3A_250, %get3A_251, %get3A_252] {strides = array<i32>} : memref<3x160x64xf32, #tpu.memory_space<vmem>>, vector<1x1x16xf32>,
          %get3A_254 = vector.shape_cast %get3A_253 : vector<1x1x16xf32> to vector<16xf32>
          %swap3A_255 = arith.constant 1 : i32
          %swap3A_256 = arith.index_cast %swap3A_255 : i32 to index
          %swap3A_257 = arith.index_cast %add3A_211 : i32 to index
          %swap3A_258 = arith.constant 48 : index
          %swap3A_259 = tpu.vector_load %arg5[%swap3A_256, %swap3A_257, %swap3A_258] {strides = array<i32>} : memref<3x160x128xf32, #tpu.memory_space<vmem>>, vector<1x1x16xf32>,
          %swap3A_260 = vector.shape_cast %swap3A_259 : vector<1x1x16xf32> to vector<16xf32>
          %swap3A_261 = vector.shape_cast %get3A_254 : vector<16xf32> to vector<1x1x16xf32>
          tpu.vector_store %arg5[%swap3A_256, %swap3A_257, %swap3A_258], %swap3A_261 {strides = array<i32>} : memref<3x160x128xf32, #tpu.memory_space<vmem>>, vector<1x1x16xf32>,
        }
        %scan3A_177 = arith.constant 160 : i32
        %add3A_178 = arith.constant 3 : i32
        %add3A_179 = arith.addi %add3A_129, %add3A_178 : i32
        %add3A_180 = arith.constant 3 : i32
        %add3A_181 = arith.addi %add3A_128, %add3A_180 : i32
        %lt3A_182 = arith.constant 196 : i32
        %lt3A_183 = arith.cmpi slt, %add3A_181, %lt3A_182 : i32
        %lt3A_184 = arith.constant 6250 : i32
        %lt3A_185 = arith.cmpi slt, %add3A_179, %lt3A_184 : i32
        %and3A_186 = arith.andi %lt3A_183, %lt3A_185 : i1
        %convert_element_type3A_187 = arith.extui %and3A_186 : i1 to i32
        %cond3A_188 = arith.constant 0 : i32
        %cond3A_189 = arith.cmpi ne, %convert_element_type3A_187, %cond3A_188 : i32
        scf.if %cond3A_189 {
          %mul3A_207 = arith.constant 160 : i32
          %mul3A_208 = arith.muli %add3A_179, %mul3A_207 : i32
          %dma_start3A_209 = arith.constant 1 : i32
          %dma_start3A_210 = arith.constant 1 : i32
          %dma_start3A_211 = arith.constant 0 : i32
          %dma_start3A_212 = arith.constant 0 : i32
          %dma_start3A_213 = tpu.memref_slice %arg4[%dma_start3A_209, %dma_start3A_211, %dma_start3A_212] : memref<3x160x64xf32, #tpu.memory_space<vmem>> -> memref<1x160x64xf32, #tpu.memory_space<vmem>>
          %dma_start3A_214 = tpu.memref_squeeze %dma_start3A_213 : memref<1x160x64xf32, #tpu.memory_space<vmem>> -> memref<160x64xf32, #tpu.memory_space<vmem>>
          %dma_start3A_215 = arith.constant 0 : i32
          %dma_start3A_216 = tpu.memref_slice %arg2[%mul3A_208, %dma_start3A_215] : memref<1000000x64xf32, #tpu.memory_space<hbm>> -> memref<160x64xf32, #tpu.memory_space<hbm>>
          %dma_start3A_217 = tpu.memref_slice %arg6[%dma_start3A_210] : memref<3x!tpu.dma_semaphore, #tpu.memory_space<semaphore_mem>> -> memref<1x!tpu.dma_semaphore, #tpu.memory_space<semaphore_mem>>
          %dma_start3A_218 = tpu.memref_squeeze %dma_start3A_217 : memref<1x!tpu.dma_semaphore, #tpu.memory_space<semaphore_mem>> -> memref<!tpu.dma_semaphore, #tpu.memory_space<semaphore_mem>>
          %dma_start3A_219 = arith.constant 0 : i32
          %dma_start3A_220 = arith.constant 0 : i32
          %dma_start3A_221 = tpu.memref_slice %arg4[%dma_start3A_209, %dma_start3A_219, %dma_start3A_220] : memref<3x160x64xf32, #tpu.memory_space<vmem>> -> memref<1x160x64xf32, #tpu.memory_space<vmem>>
          %dma_start3A_222 = tpu.memref_squeeze %dma_start3A_221 : memref<1x160x64xf32, #tpu.memory_space<vmem>> -> memref<160x64xf32, #tpu.memory_space<vmem>>
          %dma_start3A_223 = arith.constant 0 : i32
          %dma_start3A_224 = tpu.memref_slice %arg2[%mul3A_208, %dma_start3A_223] : memref<1000000x64xf32, #tpu.memory_space<hbm>> -> memref<160x64xf32, #tpu.memory_space<hbm>>
          tpu.enqueue_dma source(%dma_start3A_224 : memref<160x64xf32, #tpu.memory_space<hbm>>) target(%dma_start3A_222 : memref<160x64xf32, #tpu.memory_space<vmem>>) target_semaphore(%dma_start3A_218 : memref<!tpu.dma_semaphore, #tpu.memory_space<semaphore_mem>>)
        } else {
        }
        %mul3A_190 = arith.constant 160 : i32
        %mul3A_191 = arith.muli %add3A_129, %mul3A_190 : i32
        %dma_start3A = arith.constant 1 : i32
        %dma_start3A_192 = arith.constant 1 : i32
        %dma_start3A_193 = arith.constant 0 : i32
        %dma_start3A_194 = arith.constant 0 : i32
        %dma_start3A_195 = tpu.memref_slice %arg5[%dma_start3A, %dma_start3A_193, %dma_start3A_194] : memref<3x160x128xf32, #tpu.memory_space<vmem>> -> memref<1x160x128xf32, #tpu.memory_space<vmem>>
        %dma_start3A_196 = tpu.memref_squeeze %dma_start3A_195 : memref<1x160x128xf32, #tpu.memory_space<vmem>> -> memref<160x128xf32, #tpu.memory_space<vmem>>
        %dma_start3A_197 = arith.constant 0 : i32
        %dma_start3A_198 = tpu.memref_slice %arg3[%mul3A_191, %dma_start3A_197] : memref<1000000x128xf32, #tpu.memory_space<hbm>> -> memref<160x128xf32, #tpu.memory_space<hbm>>
        %dma_start3A_199 = tpu.memref_slice %arg7[%dma_start3A_192] : memref<3x!tpu.dma_semaphore, #tpu.memory_space<semaphore_mem>> -> memref<1x!tpu.dma_semaphore, #tpu.memory_space<semaphore_mem>>
        %dma_start3A_200 = tpu.memref_squeeze %dma_start3A_199 : memref<1x!tpu.dma_semaphore, #tpu.memory_space<semaphore_mem>> -> memref<!tpu.dma_semaphore, #tpu.memory_space<semaphore_mem>>
        %dma_start3A_201 = arith.constant 0 : i32
        %dma_start3A_202 = tpu.memref_slice %arg3[%mul3A_191, %dma_start3A_201] : memref<1000000x128xf32, #tpu.memory_space<hbm>> -> memref<160x128xf32, #tpu.memory_space<hbm>>
        %dma_start3A_203 = arith.constant 0 : i32
        %dma_start3A_204 = arith.constant 0 : i32
        %dma_start3A_205 = tpu.memref_slice %arg5[%dma_start3A, %dma_start3A_203, %dma_start3A_204] : memref<3x160x128xf32, #tpu.memory_space<vmem>> -> memref<1x160x128xf32, #tpu.memory_space<vmem>>
        %dma_start3A_206 = tpu.memref_squeeze %dma_start3A_205 : memref<1x160x128xf32, #tpu.memory_space<vmem>> -> memref<160x128xf32, #tpu.memory_space<vmem>>
        tpu.enqueue_dma source(%dma_start3A_206 : memref<160x128xf32, #tpu.memory_space<vmem>>) target(%dma_start3A_202 : memref<160x128xf32, #tpu.memory_space<hbm>>) target_semaphore(%dma_start3A_200 : memref<!tpu.dma_semaphore, #tpu.memory_space<semaphore_mem>>)
      } else {
      }
      %mul3A_138 = arith.constant 3 : i32
      %mul3A_139 = arith.muli %add3A_111, %mul3A_138 : i32
      %add3A_140 = arith.constant 2 : i32
      %add3A_141 = arith.addi %mul3A_139, %add3A_140 : i32
      %add3A_142 = arith.addi %mul3A_2, %add3A_141 : i32
      %lt3A_143 = arith.constant 196 : i32
      %lt3A_144 = arith.cmpi slt, %add3A_141, %lt3A_143 : i32
      %lt3A_145 = arith.constant 6250 : i32
      %lt3A_146 = arith.cmpi slt, %add3A_142, %lt3A_145 : i32
      %and3A_147 = arith.andi %lt3A_144, %lt3A_146 : i1
      %convert_element_type3A_148 = arith.extui %and3A_147 : i1 to i32
      %cond3A_149 = arith.constant 0 : i32
      %cond3A_150 = arith.cmpi ne, %convert_element_type3A_148, %cond3A_149 : i32
      scf.if %cond3A_150 {
        %mul3A_151 = arith.constant 160 : i32
        %mul3A_152 = arith.muli %add3A_142, %mul3A_151 : i32
        %dma_wait3A = arith.constant 2 : i32
        %dma_wait3A_153 = arith.constant 2 : i32
        %dma_wait3A_154 = arith.constant 0 : i32
        %dma_wait3A_155 = arith.constant 0 : i32
        %dma_wait3A_156 = tpu.memref_slice %arg4[%dma_wait3A, %dma_wait3A_154, %dma_wait3A_155] : memref<3x160x64xf32, #tpu.memory_space<vmem>> -> memref<1x160x64xf32, #tpu.memory_space<vmem>>
        %dma_wait3A_157 = tpu.memref_squeeze %dma_wait3A_156 : memref<1x160x64xf32, #tpu.memory_space<vmem>> -> memref<160x64xf32, #tpu.memory_space<vmem>>
        %dma_wait3A_158 = arith.constant 0 : i32
        %dma_wait3A_159 = tpu.memref_slice %arg2[%mul3A_152, %dma_wait3A_158] : memref<1000000x64xf32, #tpu.memory_space<hbm>> -> memref<160x64xf32, #tpu.memory_space<hbm>>
        %dma_wait3A_160 = tpu.memref_slice %arg6[%dma_wait3A_153] : memref<3x!tpu.dma_semaphore, #tpu.memory_space<semaphore_mem>> -> memref<1x!tpu.dma_semaphore, #tpu.memory_space<semaphore_mem>>
        %dma_wait3A_161 = tpu.memref_squeeze %dma_wait3A_160 : memref<1x!tpu.dma_semaphore, #tpu.memory_space<semaphore_mem>> -> memref<!tpu.dma_semaphore, #tpu.memory_space<semaphore_mem>>
        %dma_wait3A_162 = arith.constant 0 : i32
        %dma_wait3A_163 = arith.constant 0 : i32
        %dma_wait3A_164 = tpu.memref_slice %arg4[%dma_wait3A, %dma_wait3A_162, %dma_wait3A_163] : memref<3x160x64xf32, #tpu.memory_space<vmem>> -> memref<1x160x64xf32, #tpu.memory_space<vmem>>
        %dma_wait3A_165 = tpu.memref_squeeze %dma_wait3A_164 : memref<1x160x64xf32, #tpu.memory_space<vmem>> -> memref<160x64xf32, #tpu.memory_space<vmem>>
        %dma_wait3A_166 = arith.constant 0 : i32
        %dma_wait3A_167 = tpu.memref_slice %arg2[%mul3A_152, %dma_wait3A_166] : memref<1000000x64xf32, #tpu.memory_space<hbm>> -> memref<160x64xf32, #tpu.memory_space<hbm>>
        tpu.wait_dma2 semaphore(%dma_wait3A_161 : memref<!tpu.dma_semaphore, #tpu.memory_space<semaphore_mem>>) src(%dma_wait3A_167 : memref<160x64xf32, #tpu.memory_space<hbm>>) dst(%dma_wait3A_165 : memref<160x64xf32, #tpu.memory_space<vmem>>)
        %ge3A_168 = arith.constant 3 : i32
        %ge3A_169 = arith.cmpi sge, %add3A_141, %ge3A_168 : i32
        %convert_element_type3A_170 = arith.extui %ge3A_169 : i1 to i32
        %cond3A_171 = arith.constant 0 : i32
        %cond3A_172 = arith.cmpi ne, %convert_element_type3A_170, %cond3A_171 : i32
        scf.if %cond3A_172 {
          %sub3A_207 = arith.constant 3 : i32
          %sub3A_208 = arith.subi %add3A_142, %sub3A_207 : i32
          %mul3A_209 = arith.constant 160 : i32
          %mul3A_210 = arith.muli %sub3A_208, %mul3A_209 : i32
          %dma_wait3A_211 = arith.constant 2 : i32
          %dma_wait3A_212 = arith.constant 2 : i32
          %dma_wait3A_213 = arith.constant 0 : i32
          %dma_wait3A_214 = arith.constant 0 : i32
          %dma_wait3A_215 = tpu.memref_slice %arg5[%dma_wait3A_211, %dma_wait3A_213, %dma_wait3A_214] : memref<3x160x128xf32, #tpu.memory_space<vmem>> -> memref<1x160x128xf32, #tpu.memory_space<vmem>>
          %dma_wait3A_216 = tpu.memref_squeeze %dma_wait3A_215 : memref<1x160x128xf32, #tpu.memory_space<vmem>> -> memref<160x128xf32, #tpu.memory_space<vmem>>
          %dma_wait3A_217 = arith.constant 0 : i32
          %dma_wait3A_218 = tpu.memref_slice %arg3[%mul3A_210, %dma_wait3A_217] : memref<1000000x128xf32, #tpu.memory_space<hbm>> -> memref<160x128xf32, #tpu.memory_space<hbm>>
          %dma_wait3A_219 = tpu.memref_slice %arg7[%dma_wait3A_212] : memref<3x!tpu.dma_semaphore, #tpu.memory_space<semaphore_mem>> -> memref<1x!tpu.dma_semaphore, #tpu.memory_space<semaphore_mem>>
          %dma_wait3A_220 = tpu.memref_squeeze %dma_wait3A_219 : memref<1x!tpu.dma_semaphore, #tpu.memory_space<semaphore_mem>> -> memref<!tpu.dma_semaphore, #tpu.memory_space<semaphore_mem>>
          %dma_wait3A_221 = arith.constant 0 : i32
          %dma_wait3A_222 = tpu.memref_slice %arg3[%mul3A_210, %dma_wait3A_221] : memref<1000000x128xf32, #tpu.memory_space<hbm>> -> memref<160x128xf32, #tpu.memory_space<hbm>>
          %dma_wait3A_223 = arith.constant 0 : i32
          %dma_wait3A_224 = arith.constant 0 : i32
          %dma_wait3A_225 = tpu.memref_slice %arg5[%dma_wait3A_211, %dma_wait3A_223, %dma_wait3A_224] : memref<3x160x128xf32, #tpu.memory_space<vmem>> -> memref<1x160x128xf32, #tpu.memory_space<vmem>>
          %dma_wait3A_226 = tpu.memref_squeeze %dma_wait3A_225 : memref<1x160x128xf32, #tpu.memory_space<vmem>> -> memref<160x128xf32, #tpu.memory_space<vmem>>
          tpu.wait_dma2 semaphore(%dma_wait3A_220 : memref<!tpu.dma_semaphore, #tpu.memory_space<semaphore_mem>>) src(%dma_wait3A_226 : memref<160x128xf32, #tpu.memory_space<vmem>>) dst(%dma_wait3A_222 : memref<160x128xf32, #tpu.memory_space<hbm>>)
        } else {
        }
        %scan3A_173 = arith.constant 0 : i32
        %scan3A_174 = arith.constant 160 : i32
        %scan3A_175 = arith.addi %scan3A_173, %scan3A_174 : i32
        %scan3A_176 = arith.constant 1 : i32
        scf.for %scan3A_207 = %scan3A_173 to %scan3A_175 step %scan3A_176  : i32 {
          %mul3A_208 = arith.constant 1 : i32
          %mul3A_209 = arith.muli %scan3A_207, %mul3A_208 : i32
          %add3A_210 = arith.constant 0 : i32
          %add3A_211 = arith.addi %add3A_210, %mul3A_209 : i32
          %get3A = arith.constant 2 : i32
          %get3A_212 = arith.index_cast %get3A : i32 to index
          %get3A_213 = arith.index_cast %add3A_211 : i32 to index
          %get3A_214 = arith.constant 0 : index
          %get3A_215 = tpu.vector_load %arg4[%get3A_212, %get3A_213, %get3A_214] {strides = array<i32>} : memref<3x160x64xf32, #tpu.memory_space<vmem>>, vector<1x1x16xf32>,
          %get3A_216 = vector.shape_cast %get3A_215 : vector<1x1x16xf32> to vector<16xf32>
          %swap3A = arith.constant 2 : i32
          %swap3A_217 = arith.index_cast %swap3A : i32 to index
          %swap3A_218 = arith.index_cast %add3A_211 : i32 to index
          %swap3A_219 = arith.constant 0 : index
          %swap3A_220 = tpu.vector_load %arg5[%swap3A_217, %swap3A_218, %swap3A_219] {strides = array<i32>} : memref<3x160x128xf32, #tpu.memory_space<vmem>>, vector<1x1x16xf32>,
          %swap3A_221 = vector.shape_cast %swap3A_220 : vector<1x1x16xf32> to vector<16xf32>
          %swap3A_222 = vector.shape_cast %get3A_216 : vector<16xf32> to vector<1x1x16xf32>
          tpu.vector_store %arg5[%swap3A_217, %swap3A_218, %swap3A_219], %swap3A_222 {strides = array<i32>} : memref<3x160x128xf32, #tpu.memory_space<vmem>>, vector<1x1x16xf32>,
          %get3A_223 = arith.constant 2 : i32
          %get3A_224 = arith.index_cast %get3A_223 : i32 to index
          %get3A_225 = arith.index_cast %add3A_211 : i32 to index
          %get3A_226 = arith.constant 16 : index
          %get3A_227 = tpu.vector_load %arg4[%get3A_224, %get3A_225, %get3A_226] {strides = array<i32>} : memref<3x160x64xf32, #tpu.memory_space<vmem>>, vector<1x1x16xf32>,
          %get3A_228 = vector.shape_cast %get3A_227 : vector<1x1x16xf32> to vector<16xf32>
          %swap3A_229 = arith.constant 2 : i32
          %swap3A_230 = arith.index_cast %swap3A_229 : i32 to index
          %swap3A_231 = arith.index_cast %add3A_211 : i32 to index
          %swap3A_232 = arith.constant 16 : index
          %swap3A_233 = tpu.vector_load %arg5[%swap3A_230, %swap3A_231, %swap3A_232] {strides = array<i32>} : memref<3x160x128xf32, #tpu.memory_space<vmem>>, vector<1x1x16xf32>,
          %swap3A_234 = vector.shape_cast %swap3A_233 : vector<1x1x16xf32> to vector<16xf32>
          %swap3A_235 = vector.shape_cast %get3A_228 : vector<16xf32> to vector<1x1x16xf32>
          tpu.vector_store %arg5[%swap3A_230, %swap3A_231, %swap3A_232], %swap3A_235 {strides = array<i32>} : memref<3x160x128xf32, #tpu.memory_space<vmem>>, vector<1x1x16xf32>,
          %get3A_236 = arith.constant 2 : i32
          %get3A_237 = arith.index_cast %get3A_236 : i32 to index
          %get3A_238 = arith.index_cast %add3A_211 : i32 to index
          %get3A_239 = arith.constant 32 : index
          %get3A_240 = tpu.vector_load %arg4[%get3A_237, %get3A_238, %get3A_239] {strides = array<i32>} : memref<3x160x64xf32, #tpu.memory_space<vmem>>, vector<1x1x16xf32>,
          %get3A_241 = vector.shape_cast %get3A_240 : vector<1x1x16xf32> to vector<16xf32>
          %swap3A_242 = arith.constant 2 : i32
          %swap3A_243 = arith.index_cast %swap3A_242 : i32 to index
          %swap3A_244 = arith.index_cast %add3A_211 : i32 to index
          %swap3A_245 = arith.constant 32 : index
          %swap3A_246 = tpu.vector_load %arg5[%swap3A_243, %swap3A_244, %swap3A_245] {strides = array<i32>} : memref<3x160x128xf32, #tpu.memory_space<vmem>>, vector<1x1x16xf32>,
          %swap3A_247 = vector.shape_cast %swap3A_246 : vector<1x1x16xf32> to vector<16xf32>
          %swap3A_248 = vector.shape_cast %get3A_241 : vector<16xf32> to vector<1x1x16xf32>
          tpu.vector_store %arg5[%swap3A_243, %swap3A_244, %swap3A_245], %swap3A_248 {strides = array<i32>} : memref<3x160x128xf32, #tpu.memory_space<vmem>>, vector<1x1x16xf32>,
          %get3A_249 = arith.constant 2 : i32
          %get3A_250 = arith.index_cast %get3A_249 : i32 to index
          %get3A_251 = arith.index_cast %add3A_211 : i32 to index
          %get3A_252 = arith.constant 48 : index
          %get3A_253 = tpu.vector_load %arg4[%get3A_250, %get3A_251, %get3A_252] {strides = array<i32>} : memref<3x160x64xf32, #tpu.memory_space<vmem>>, vector<1x1x16xf32>,
          %get3A_254 = vector.shape_cast %get3A_253 : vector<1x1x16xf32> to vector<16xf32>
          %swap3A_255 = arith.constant 2 : i32
          %swap3A_256 = arith.index_cast %swap3A_255 : i32 to index
          %swap3A_257 = arith.index_cast %add3A_211 : i32 to index
          %swap3A_258 = arith.constant 48 : index
          %swap3A_259 = tpu.vector_load %arg5[%swap3A_256, %swap3A_257, %swap3A_258] {strides = array<i32>} : memref<3x160x128xf32, #tpu.memory_space<vmem>>, vector<1x1x16xf32>,
          %swap3A_260 = vector.shape_cast %swap3A_259 : vector<1x1x16xf32> to vector<16xf32>
          %swap3A_261 = vector.shape_cast %get3A_254 : vector<16xf32> to vector<1x1x16xf32>
          tpu.vector_store %arg5[%swap3A_256, %swap3A_257, %swap3A_258], %swap3A_261 {strides = array<i32>} : memref<3x160x128xf32, #tpu.memory_space<vmem>>, vector<1x1x16xf32>,
        }
        %scan3A_177 = arith.constant 160 : i32
        %add3A_178 = arith.constant 3 : i32
        %add3A_179 = arith.addi %add3A_142, %add3A_178 : i32
        %add3A_180 = arith.constant 3 : i32
        %add3A_181 = arith.addi %add3A_141, %add3A_180 : i32
        %lt3A_182 = arith.constant 196 : i32
        %lt3A_183 = arith.cmpi slt, %add3A_181, %lt3A_182 : i32
        %lt3A_184 = arith.constant 6250 : i32
        %lt3A_185 = arith.cmpi slt, %add3A_179, %lt3A_184 : i32
        %and3A_186 = arith.andi %lt3A_183, %lt3A_185 : i1
        %convert_element_type3A_187 = arith.extui %and3A_186 : i1 to i32
        %cond3A_188 = arith.constant 0 : i32
        %cond3A_189 = arith.cmpi ne, %convert_element_type3A_187, %cond3A_188 : i32
        scf.if %cond3A_189 {
          %mul3A_207 = arith.constant 160 : i32
          %mul3A_208 = arith.muli %add3A_179, %mul3A_207 : i32
          %dma_start3A_209 = arith.constant 2 : i32
          %dma_start3A_210 = arith.constant 2 : i32
          %dma_start3A_211 = arith.constant 0 : i32
          %dma_start3A_212 = arith.constant 0 : i32
          %dma_start3A_213 = tpu.memref_slice %arg4[%dma_start3A_209, %dma_start3A_211, %dma_start3A_212] : memref<3x160x64xf32, #tpu.memory_space<vmem>> -> memref<1x160x64xf32, #tpu.memory_space<vmem>>
          %dma_start3A_214 = tpu.memref_squeeze %dma_start3A_213 : memref<1x160x64xf32, #tpu.memory_space<vmem>> -> memref<160x64xf32, #tpu.memory_space<vmem>>
          %dma_start3A_215 = arith.constant 0 : i32
          %dma_start3A_216 = tpu.memref_slice %arg2[%mul3A_208, %dma_start3A_215] : memref<1000000x64xf32, #tpu.memory_space<hbm>> -> memref<160x64xf32, #tpu.memory_space<hbm>>
          %dma_start3A_217 = tpu.memref_slice %arg6[%dma_start3A_210] : memref<3x!tpu.dma_semaphore, #tpu.memory_space<semaphore_mem>> -> memref<1x!tpu.dma_semaphore, #tpu.memory_space<semaphore_mem>>
          %dma_start3A_218 = tpu.memref_squeeze %dma_start3A_217 : memref<1x!tpu.dma_semaphore, #tpu.memory_space<semaphore_mem>> -> memref<!tpu.dma_semaphore, #tpu.memory_space<semaphore_mem>>
          %dma_start3A_219 = arith.constant 0 : i32
          %dma_start3A_220 = arith.constant 0 : i32
          %dma_start3A_221 = tpu.memref_slice %arg4[%dma_start3A_209, %dma_start3A_219, %dma_start3A_220] : memref<3x160x64xf32, #tpu.memory_space<vmem>> -> memref<1x160x64xf32, #tpu.memory_space<vmem>>
          %dma_start3A_222 = tpu.memref_squeeze %dma_start3A_221 : memref<1x160x64xf32, #tpu.memory_space<vmem>> -> memref<160x64xf32, #tpu.memory_space<vmem>>
          %dma_start3A_223 = arith.constant 0 : i32
          %dma_start3A_224 = tpu.memref_slice %arg2[%mul3A_208, %dma_start3A_223] : memref<1000000x64xf32, #tpu.memory_space<hbm>> -> memref<160x64xf32, #tpu.memory_space<hbm>>
          tpu.enqueue_dma source(%dma_start3A_224 : memref<160x64xf32, #tpu.memory_space<hbm>>) target(%dma_start3A_222 : memref<160x64xf32, #tpu.memory_space<vmem>>) target_semaphore(%dma_start3A_218 : memref<!tpu.dma_semaphore, #tpu.memory_space<semaphore_mem>>)
        } else {
        }
        %mul3A_190 = arith.constant 160 : i32
        %mul3A_191 = arith.muli %add3A_142, %mul3A_190 : i32
        %dma_start3A = arith.constant 2 : i32
        %dma_start3A_192 = arith.constant 2 : i32
        %dma_start3A_193 = arith.constant 0 : i32
        %dma_start3A_194 = arith.constant 0 : i32
        %dma_start3A_195 = tpu.memref_slice %arg5[%dma_start3A, %dma_start3A_193, %dma_start3A_194] : memref<3x160x128xf32, #tpu.memory_space<vmem>> -> memref<1x160x128xf32, #tpu.memory_space<vmem>>
        %dma_start3A_196 = tpu.memref_squeeze %dma_start3A_195 : memref<1x160x128xf32, #tpu.memory_space<vmem>> -> memref<160x128xf32, #tpu.memory_space<vmem>>
        %dma_start3A_197 = arith.constant 0 : i32
        %dma_start3A_198 = tpu.memref_slice %arg3[%mul3A_191, %dma_start3A_197] : memref<1000000x128xf32, #tpu.memory_space<hbm>> -> memref<160x128xf32, #tpu.memory_space<hbm>>
        %dma_start3A_199 = tpu.memref_slice %arg7[%dma_start3A_192] : memref<3x!tpu.dma_semaphore, #tpu.memory_space<semaphore_mem>> -> memref<1x!tpu.dma_semaphore, #tpu.memory_space<semaphore_mem>>
        %dma_start3A_200 = tpu.memref_squeeze %dma_start3A_199 : memref<1x!tpu.dma_semaphore, #tpu.memory_space<semaphore_mem>> -> memref<!tpu.dma_semaphore, #tpu.memory_space<semaphore_mem>>
        %dma_start3A_201 = arith.constant 0 : i32
        %dma_start3A_202 = tpu.memref_slice %arg3[%mul3A_191, %dma_start3A_201] : memref<1000000x128xf32, #tpu.memory_space<hbm>> -> memref<160x128xf32, #tpu.memory_space<hbm>>
        %dma_start3A_203 = arith.constant 0 : i32
        %dma_start3A_204 = arith.constant 0 : i32
        %dma_start3A_205 = tpu.memref_slice %arg5[%dma_start3A, %dma_start3A_203, %dma_start3A_204] : memref<3x160x128xf32, #tpu.memory_space<vmem>> -> memref<1x160x128xf32, #tpu.memory_space<vmem>>
        %dma_start3A_206 = tpu.memref_squeeze %dma_start3A_205 : memref<1x160x128xf32, #tpu.memory_space<vmem>> -> memref<160x128xf32, #tpu.memory_space<vmem>>
        tpu.enqueue_dma source(%dma_start3A_206 : memref<160x128xf32, #tpu.memory_space<vmem>>) target(%dma_start3A_202 : memref<160x128xf32, #tpu.memory_space<hbm>>) target_semaphore(%dma_start3A_200 : memref<!tpu.dma_semaphore, #tpu.memory_space<semaphore_mem>>)
      } else {
      }
    }
    %scan3A_24 = arith.constant 66 : i32
    %sub3A = arith.constant 6250 : i32
    %sub3A_25 = arith.subi %sub3A, %mul3A_2 : i32
    %min3A = arith.constant 196 : i32
    %min3A_26 = arith.minsi %min3A, %sub3A_25 : i32
    %sub3A_27 = arith.constant 1 : i32
    %sub3A_28 = arith.subi %min3A_26, %sub3A_27 : i32
    %sub3A_29 = arith.constant 1 : i32
    %sub3A_30 = arith.subi %min3A_26, %sub3A_29 : i32
    %sub3A_31 = arith.constant 0 : i32
    %sub3A_32 = arith.subi %sub3A_30, %sub3A_31 : i32
    %jit3A = arith.constant 3 : i32
    %eq3A = arith.constant 0 : i32
    %eq3A_33 = arith.cmpi eq, %jit3A, %eq3A : i32
    %jit3A_34 = arith.constant 1 : i32
    %select_n3A = arith.select %eq3A_33, %jit3A_34, %jit3A : i32
    %rem3A = arith.remsi %sub3A_32, %select_n3A : i32
    %ne3A = arith.constant 0 : i32
    %ne3A_35 = arith.cmpi ne, %rem3A, %ne3A : i32
    %lt3A_36 = arith.constant 0 : i32
    %lt3A_37 = arith.cmpi slt, %rem3A, %lt3A_36 : i32
    %lt3A_38 = arith.constant 0 : i32
    %lt3A_39 = arith.cmpi slt, %select_n3A, %lt3A_38 : i32
    %ne3A_40 = arith.xori %lt3A_37, %lt3A_39 : i1
    %and3A = arith.andi %ne3A_40, %ne3A_35 : i1
    %add3A_41 = arith.addi %rem3A, %select_n3A : i32
    %select_n3A_42 = arith.select %and3A, %add3A_41, %rem3A : i32
    %sub3A_43 = arith.subi %sub3A_28, %select_n3A_42 : i32
    %add3A_44 = arith.addi %mul3A_2, %sub3A_43 : i32
    %ge3A = arith.constant 0 : i32
    %ge3A_45 = arith.cmpi sge, %sub3A_43, %ge3A : i32
    %convert_element_type3A_46 = arith.extui %ge3A_45 : i1 to i32
    %cond3A_47 = arith.constant 0 : i32
    %cond3A_48 = arith.cmpi ne, %convert_element_type3A_46, %cond3A_47 : i32
    scf.if %cond3A_48 {
      %mul3A_107 = arith.constant 160 : i32
      %mul3A_108 = arith.muli %add3A_44, %mul3A_107 : i32
      %dma_wait3A = arith.constant 0 : i32
      %dma_wait3A_109 = arith.constant 0 : i32
      %dma_wait3A_110 = arith.constant 0 : i32
      %dma_wait3A_111 = arith.constant 0 : i32
      %dma_wait3A_112 = tpu.memref_slice %arg5[%dma_wait3A, %dma_wait3A_110, %dma_wait3A_111] : memref<3x160x128xf32, #tpu.memory_space<vmem>> -> memref<1x160x128xf32, #tpu.memory_space<vmem>>
      %dma_wait3A_113 = tpu.memref_squeeze %dma_wait3A_112 : memref<1x160x128xf32, #tpu.memory_space<vmem>> -> memref<160x128xf32, #tpu.memory_space<vmem>>
      %dma_wait3A_114 = arith.constant 0 : i32
      %dma_wait3A_115 = tpu.memref_slice %arg3[%mul3A_108, %dma_wait3A_114] : memref<1000000x128xf32, #tpu.memory_space<hbm>> -> memref<160x128xf32, #tpu.memory_space<hbm>>
      %dma_wait3A_116 = tpu.memref_slice %arg7[%dma_wait3A_109] : memref<3x!tpu.dma_semaphore, #tpu.memory_space<semaphore_mem>> -> memref<1x!tpu.dma_semaphore, #tpu.memory_space<semaphore_mem>>
      %dma_wait3A_117 = tpu.memref_squeeze %dma_wait3A_116 : memref<1x!tpu.dma_semaphore, #tpu.memory_space<semaphore_mem>> -> memref<!tpu.dma_semaphore, #tpu.memory_space<semaphore_mem>>
      %dma_wait3A_118 = arith.constant 0 : i32
      %dma_wait3A_119 = tpu.memref_slice %arg3[%mul3A_108, %dma_wait3A_118] : memref<1000000x128xf32, #tpu.memory_space<hbm>> -> memref<160x128xf32, #tpu.memory_space<hbm>>
      %dma_wait3A_120 = arith.constant 0 : i32
      %dma_wait3A_121 = arith.constant 0 : i32
      %dma_wait3A_122 = tpu.memref_slice %arg5[%dma_wait3A, %dma_wait3A_120, %dma_wait3A_121] : memref<3x160x128xf32, #tpu.memory_space<vmem>> -> memref<1x160x128xf32, #tpu.memory_space<vmem>>
      %dma_wait3A_123 = tpu.memref_squeeze %dma_wait3A_122 : memref<1x160x128xf32, #tpu.memory_space<vmem>> -> memref<160x128xf32, #tpu.memory_space<vmem>>
      tpu.wait_dma2 semaphore(%dma_wait3A_117 : memref<!tpu.dma_semaphore, #tpu.memory_space<semaphore_mem>>) src(%dma_wait3A_123 : memref<160x128xf32, #tpu.memory_space<vmem>>) dst(%dma_wait3A_119 : memref<160x128xf32, #tpu.memory_space<hbm>>)
    } else {
    }
    %sub3A_49 = arith.constant 1 : i32
    %sub3A_50 = arith.subi %min3A_26, %sub3A_49 : i32
    %sub3A_51 = arith.constant 1 : i32
    %sub3A_52 = arith.subi %min3A_26, %sub3A_51 : i32
    %sub3A_53 = arith.constant 1 : i32
    %sub3A_54 = arith.subi %sub3A_52, %sub3A_53 : i32
    %jit3A_55 = arith.constant 3 : i32
    %eq3A_56 = arith.constant 0 : i32
    %eq3A_57 = arith.cmpi eq, %jit3A_55, %eq3A_56 : i32
    %jit3A_58 = arith.constant 1 : i32
    %select_n3A_59 = arith.select %eq3A_57, %jit3A_58, %jit3A_55 : i32
    %rem3A_60 = arith.remsi %sub3A_54, %select_n3A_59 : i32
    %ne3A_61 = arith.constant 0 : i32
    %ne3A_62 = arith.cmpi ne, %rem3A_60, %ne3A_61 : i32
    %lt3A_63 = arith.constant 0 : i32
    %lt3A_64 = arith.cmpi slt, %rem3A_60, %lt3A_63 : i32
    %lt3A_65 = arith.constant 0 : i32
    %lt3A_66 = arith.cmpi slt, %select_n3A_59, %lt3A_65 : i32
    %ne3A_67 = arith.xori %lt3A_64, %lt3A_66 : i1
    %and3A_68 = arith.andi %ne3A_67, %ne3A_62 : i1
    %add3A_69 = arith.addi %rem3A_60, %select_n3A_59 : i32
    %select_n3A_70 = arith.select %and3A_68, %add3A_69, %rem3A_60 : i32
    %sub3A_71 = arith.subi %sub3A_50, %select_n3A_70 : i32
    %add3A_72 = arith.addi %mul3A_2, %sub3A_71 : i32
    %ge3A_73 = arith.constant 0 : i32
    %ge3A_74 = arith.cmpi sge, %sub3A_71, %ge3A_73 : i32
    %convert_element_type3A_75 = arith.extui %ge3A_74 : i1 to i32
    %cond3A_76 = arith.constant 0 : i32
    %cond3A_77 = arith.cmpi ne, %convert_element_type3A_75, %cond3A_76 : i32
    scf.if %cond3A_77 {
      %mul3A_107 = arith.constant 160 : i32
      %mul3A_108 = arith.muli %add3A_72, %mul3A_107 : i32
      %dma_wait3A = arith.constant 1 : i32
      %dma_wait3A_109 = arith.constant 1 : i32
      %dma_wait3A_110 = arith.constant 0 : i32
      %dma_wait3A_111 = arith.constant 0 : i32
      %dma_wait3A_112 = tpu.memref_slice %arg5[%dma_wait3A, %dma_wait3A_110, %dma_wait3A_111] : memref<3x160x128xf32, #tpu.memory_space<vmem>> -> memref<1x160x128xf32, #tpu.memory_space<vmem>>
      %dma_wait3A_113 = tpu.memref_squeeze %dma_wait3A_112 : memref<1x160x128xf32, #tpu.memory_space<vmem>> -> memref<160x128xf32, #tpu.memory_space<vmem>>
      %dma_wait3A_114 = arith.constant 0 : i32
      %dma_wait3A_115 = tpu.memref_slice %arg3[%mul3A_108, %dma_wait3A_114] : memref<1000000x128xf32, #tpu.memory_space<hbm>> -> memref<160x128xf32, #tpu.memory_space<hbm>>
      %dma_wait3A_116 = tpu.memref_slice %arg7[%dma_wait3A_109] : memref<3x!tpu.dma_semaphore, #tpu.memory_space<semaphore_mem>> -> memref<1x!tpu.dma_semaphore, #tpu.memory_space<semaphore_mem>>
      %dma_wait3A_117 = tpu.memref_squeeze %dma_wait3A_116 : memref<1x!tpu.dma_semaphore, #tpu.memory_space<semaphore_mem>> -> memref<!tpu.dma_semaphore, #tpu.memory_space<semaphore_mem>>
      %dma_wait3A_118 = arith.constant 0 : i32
      %dma_wait3A_119 = tpu.memref_slice %arg3[%mul3A_108, %dma_wait3A_118] : memref<1000000x128xf32, #tpu.memory_space<hbm>> -> memref<160x128xf32, #tpu.memory_space<hbm>>
      %dma_wait3A_120 = arith.constant 0 : i32
      %dma_wait3A_121 = arith.constant 0 : i32
      %dma_wait3A_122 = tpu.memref_slice %arg5[%dma_wait3A, %dma_wait3A_120, %dma_wait3A_121] : memref<3x160x128xf32, #tpu.memory_space<vmem>> -> memref<1x160x128xf32, #tpu.memory_space<vmem>>
      %dma_wait3A_123 = tpu.memref_squeeze %dma_wait3A_122 : memref<1x160x128xf32, #tpu.memory_space<vmem>> -> memref<160x128xf32, #tpu.memory_space<vmem>>
      tpu.wait_dma2 semaphore(%dma_wait3A_117 : memref<!tpu.dma_semaphore, #tpu.memory_space<semaphore_mem>>) src(%dma_wait3A_123 : memref<160x128xf32, #tpu.memory_space<vmem>>) dst(%dma_wait3A_119 : memref<160x128xf32, #tpu.memory_space<hbm>>)
    } else {
    }
    %sub3A_78 = arith.constant 1 : i32
    %sub3A_79 = arith.subi %min3A_26, %sub3A_78 : i32
    %sub3A_80 = arith.constant 1 : i32
    %sub3A_81 = arith.subi %min3A_26, %sub3A_80 : i32
    %sub3A_82 = arith.constant 2 : i32
    %sub3A_83 = arith.subi %sub3A_81, %sub3A_82 : i32
    %jit3A_84 = arith.constant 3 : i32
    %eq3A_85 = arith.constant 0 : i32
    %eq3A_86 = arith.cmpi eq, %jit3A_84, %eq3A_85 : i32
    %jit3A_87 = arith.constant 1 : i32
    %select_n3A_88 = arith.select %eq3A_86, %jit3A_87, %jit3A_84 : i32
    %rem3A_89 = arith.remsi %sub3A_83, %select_n3A_88 : i32
    %ne3A_90 = arith.constant 0 : i32
    %ne3A_91 = arith.cmpi ne, %rem3A_89, %ne3A_90 : i32
    %lt3A_92 = arith.constant 0 : i32
    %lt3A_93 = arith.cmpi slt, %rem3A_89, %lt3A_92 : i32
    %lt3A_94 = arith.constant 0 : i32
    %lt3A_95 = arith.cmpi slt, %select_n3A_88, %lt3A_94 : i32
    %ne3A_96 = arith.xori %lt3A_93, %lt3A_95 : i1
    %and3A_97 = arith.andi %ne3A_96, %ne3A_91 : i1
    %add3A_98 = arith.addi %rem3A_89, %select_n3A_88 : i32
    %select_n3A_99 = arith.select %and3A_97, %add3A_98, %rem3A_89 : i32
    %sub3A_100 = arith.subi %sub3A_79, %select_n3A_99 : i32
    %add3A_101 = arith.addi %mul3A_2, %sub3A_100 : i32
    %ge3A_102 = arith.constant 0 : i32
    %ge3A_103 = arith.cmpi sge, %sub3A_100, %ge3A_102 : i32
    %convert_element_type3A_104 = arith.extui %ge3A_103 : i1 to i32
    %cond3A_105 = arith.constant 0 : i32
    %cond3A_106 = arith.cmpi ne, %convert_element_type3A_104, %cond3A_105 : i32
    scf.if %cond3A_106 {
      %mul3A_107 = arith.constant 160 : i32
      %mul3A_108 = arith.muli %add3A_101, %mul3A_107 : i32
      %dma_wait3A = arith.constant 2 : i32
      %dma_wait3A_109 = arith.constant 2 : i32
      %dma_wait3A_110 = arith.constant 0 : i32
      %dma_wait3A_111 = arith.constant 0 : i32
      %dma_wait3A_112 = tpu.memref_slice %arg5[%dma_wait3A, %dma_wait3A_110, %dma_wait3A_111] : memref<3x160x128xf32, #tpu.memory_space<vmem>> -> memref<1x160x128xf32, #tpu.memory_space<vmem>>
      %dma_wait3A_113 = tpu.memref_squeeze %dma_wait3A_112 : memref<1x160x128xf32, #tpu.memory_space<vmem>> -> memref<160x128xf32, #tpu.memory_space<vmem>>
      %dma_wait3A_114 = arith.constant 0 : i32
      %dma_wait3A_115 = tpu.memref_slice %arg3[%mul3A_108, %dma_wait3A_114] : memref<1000000x128xf32, #tpu.memory_space<hbm>> -> memref<160x128xf32, #tpu.memory_space<hbm>>
      %dma_wait3A_116 = tpu.memref_slice %arg7[%dma_wait3A_109] : memref<3x!tpu.dma_semaphore, #tpu.memory_space<semaphore_mem>> -> memref<1x!tpu.dma_semaphore, #tpu.memory_space<semaphore_mem>>
      %dma_wait3A_117 = tpu.memref_squeeze %dma_wait3A_116 : memref<1x!tpu.dma_semaphore, #tpu.memory_space<semaphore_mem>> -> memref<!tpu.dma_semaphore, #tpu.memory_space<semaphore_mem>>
      %dma_wait3A_118 = arith.constant 0 : i32
      %dma_wait3A_119 = tpu.memref_slice %arg3[%mul3A_108, %dma_wait3A_118] : memref<1000000x128xf32, #tpu.memory_space<hbm>> -> memref<160x128xf32, #tpu.memory_space<hbm>>
      %dma_wait3A_120 = arith.constant 0 : i32
      %dma_wait3A_121 = arith.constant 0 : i32
      %dma_wait3A_122 = tpu.memref_slice %arg5[%dma_wait3A, %dma_wait3A_120, %dma_wait3A_121] : memref<3x160x128xf32, #tpu.memory_space<vmem>> -> memref<1x160x128xf32, #tpu.memory_space<vmem>>
      %dma_wait3A_123 = tpu.memref_squeeze %dma_wait3A_122 : memref<1x160x128xf32, #tpu.memory_space<vmem>> -> memref<160x128xf32, #tpu.memory_space<vmem>>
      tpu.wait_dma2 semaphore(%dma_wait3A_117 : memref<!tpu.dma_semaphore, #tpu.memory_space<semaphore_mem>>) src(%dma_wait3A_123 : memref<160x128xf32, #tpu.memory_space<vmem>>) dst(%dma_wait3A_119 : memref<160x128xf32, #tpu.memory_space<hbm>>)
    } else {
    }
    return
  }
}

#map = affine_map<(d0, d1) -> (0, 0)>
module attributes {stable_mosaic.version = 14 : i64} {
  func.func @_gather(%arg0: i32, %arg1: i32, %arg2: memref<1000000x128xf32, #tpu.memory_space<hbm>>, %arg3: memref<6400x128xi32, #tpu.memory_space<hbm>>, %arg4: memref<819200x64xf32, #tpu.memory_space<hbm>>, %arg5: memref<200x128xi32, #tpu.memory_space<vmem>>, %arg6: memref<4x128x128xf32, #tpu.memory_space<vmem>>, %arg7: memref<2x128x64xf32, #tpu.memory_space<vmem>>, %arg8: memref<4x!tpu.dma_semaphore, #tpu.memory_space<semaphore_mem>>, %arg9: memref<2x!tpu.dma_semaphore, #tpu.memory_space<semaphore_mem>>) attributes {dimension_semantics = [#tpu.dimension_semantics<core_parallel>, #tpu.dimension_semantics<subcore_parallel>], iteration_bounds = array<i64: 2, 16>, scalar_prefetch = 0 : i64, scratch_operands = 5 : i64, tpu.core_type = #tpu.core_type<sc_vector_subcore>, window_params = [{transform_indices = #map}, {transform_indices = #map}, {transform_indices = #map}]} {
    %mul3A = arith.constant 2 : i32
    %mul3A_0 = arith.muli %arg1, %mul3A : i32
    %add3A = arith.addi %mul3A_0, %arg0 : i32
    %mul3A_1 = arith.constant 200 : i32
    %mul3A_2 = arith.muli %add3A, %mul3A_1 : i32
    "tpu.region"() ({
      %run_scoped3A = tpu.sem_alloc : memref<!tpu.dma_semaphore, #tpu.memory_space<semaphore_mem>>
      %dma_start3A_112 = arith.constant 0 : i32
      %dma_start3A_113 = tpu.memref_slice %arg3[%mul3A_2, %dma_start3A_112] : memref<6400x128xi32, #tpu.memory_space<hbm>> -> memref<200x128xi32, #tpu.memory_space<hbm>>
      %dma_start3A_114 = arith.constant 0 : i32
      %dma_start3A_115 = tpu.memref_slice %arg3[%mul3A_2, %dma_start3A_114] : memref<6400x128xi32, #tpu.memory_space<hbm>> -> memref<200x128xi32, #tpu.memory_space<hbm>>
      tpu.enqueue_dma source(%dma_start3A_115 : memref<200x128xi32, #tpu.memory_space<hbm>>) target(%arg5 : memref<200x128xi32, #tpu.memory_space<vmem>>) target_semaphore(%run_scoped3A : memref<!tpu.dma_semaphore, #tpu.memory_space<semaphore_mem>>)
      %dma_wait3A_116 = arith.constant 0 : i32
      %dma_wait3A_117 = tpu.memref_slice %arg3[%mul3A_2, %dma_wait3A_116] : memref<6400x128xi32, #tpu.memory_space<hbm>> -> memref<200x128xi32, #tpu.memory_space<hbm>>
      %dma_wait3A_118 = arith.constant 0 : i32
      %dma_wait3A_119 = tpu.memref_slice %arg3[%mul3A_2, %dma_wait3A_118] : memref<6400x128xi32, #tpu.memory_space<hbm>> -> memref<200x128xi32, #tpu.memory_space<hbm>>
      tpu.wait_dma2 semaphore(%run_scoped3A : memref<!tpu.dma_semaphore, #tpu.memory_space<semaphore_mem>>) src(%dma_wait3A_119 : memref<200x128xi32, #tpu.memory_space<hbm>>) dst(%arg5 : memref<200x128xi32, #tpu.memory_space<vmem>>)
      tpu.yield
    }) : () -> ()
    %dma_start3A = arith.constant 0 : i32
    %dma_start3A_3 = arith.constant 0 : i32
    %dma_start3A_4 = arith.constant 0 : i32
    %dma_start3A_5 = arith.constant 0 : i32
    %dma_start3A_6 = arith.constant 0 : i32
    %dma_start3A_7 = tpu.memref_slice %arg6[%dma_start3A_3, %dma_start3A_5, %dma_start3A_6] : memref<4x128x128xf32, #tpu.memory_space<vmem>> -> memref<1x128x128xf32, #tpu.memory_space<vmem>>
    %dma_start3A_8 = tpu.memref_squeeze %dma_start3A_7 : memref<1x128x128xf32, #tpu.memory_space<vmem>> -> memref<128x128xf32, #tpu.memory_space<vmem>>
    %dma_start3A_9 = arith.constant 0 : i32
    %dma_start3A_10 = tpu.memref_slice %arg5[%dma_start3A, %dma_start3A_9] : memref<200x128xi32, #tpu.memory_space<vmem>> -> memref<1x128xi32, #tpu.memory_space<vmem>>
    %dma_start3A_11 = tpu.memref_squeeze %dma_start3A_10 : memref<1x128xi32, #tpu.memory_space<vmem>> -> memref<128xi32, #tpu.memory_space<vmem>>
    %dma_start3A_12 = arith.constant 0 : i32
    %dma_start3A_13 = arith.constant 0 : i32
    %dma_start3A_14 = tpu.memref_slice %arg2[%dma_start3A_12, %dma_start3A_13] : memref<1000000x128xf32, #tpu.memory_space<hbm>> -> memref<1000000x128xf32, #tpu.memory_space<hbm>>
    %dma_start3A_15 = tpu.memref_slice %arg8[%dma_start3A_4] : memref<4x!tpu.dma_semaphore, #tpu.memory_space<semaphore_mem>> -> memref<1x!tpu.dma_semaphore, #tpu.memory_space<semaphore_mem>>
    %dma_start3A_16 = tpu.memref_squeeze %dma_start3A_15 : memref<1x!tpu.dma_semaphore, #tpu.memory_space<semaphore_mem>> -> memref<!tpu.dma_semaphore, #tpu.memory_space<semaphore_mem>>
    tpu.enqueue_indirect_dma source(%dma_start3A_14 : memref<1000000x128xf32, #tpu.memory_space<hbm>>) target(%dma_start3A_8 : memref<128x128xf32, #tpu.memory_space<vmem>>) offsets(%dma_start3A_11 : memref<128xi32, #tpu.memory_space<vmem>>) semaphore(%dma_start3A_16 : memref<!tpu.dma_semaphore, #tpu.memory_space<semaphore_mem>>)
    %dma_start3A_17 = arith.constant 1 : i32
    %dma_start3A_18 = arith.constant 1 : i32
    %dma_start3A_19 = arith.constant 1 : i32
    %dma_start3A_20 = arith.constant 0 : i32
    %dma_start3A_21 = arith.constant 0 : i32
    %dma_start3A_22 = tpu.memref_slice %arg6[%dma_start3A_18, %dma_start3A_20, %dma_start3A_21] : memref<4x128x128xf32, #tpu.memory_space<vmem>> -> memref<1x128x128xf32, #tpu.memory_space<vmem>>
    %dma_start3A_23 = tpu.memref_squeeze %dma_start3A_22 : memref<1x128x128xf32, #tpu.memory_space<vmem>> -> memref<128x128xf32, #tpu.memory_space<vmem>>
    %dma_start3A_24 = arith.constant 0 : i32
    %dma_start3A_25 = tpu.memref_slice %arg5[%dma_start3A_17, %dma_start3A_24] : memref<200x128xi32, #tpu.memory_space<vmem>> -> memref<1x128xi32, #tpu.memory_space<vmem>>
    %dma_start3A_26 = tpu.memref_squeeze %dma_start3A_25 : memref<1x128xi32, #tpu.memory_space<vmem>> -> memref<128xi32, #tpu.memory_space<vmem>>
    %dma_start3A_27 = arith.constant 0 : i32
    %dma_start3A_28 = arith.constant 0 : i32
    %dma_start3A_29 = tpu.memref_slice %arg2[%dma_start3A_27, %dma_start3A_28] : memref<1000000x128xf32, #tpu.memory_space<hbm>> -> memref<1000000x128xf32, #tpu.memory_space<hbm>>
    %dma_start3A_30 = tpu.memref_slice %arg8[%dma_start3A_19] : memref<4x!tpu.dma_semaphore, #tpu.memory_space<semaphore_mem>> -> memref<1x!tpu.dma_semaphore, #tpu.memory_space<semaphore_mem>>
    %dma_start3A_31 = tpu.memref_squeeze %dma_start3A_30 : memref<1x!tpu.dma_semaphore, #tpu.memory_space<semaphore_mem>> -> memref<!tpu.dma_semaphore, #tpu.memory_space<semaphore_mem>>
    tpu.enqueue_indirect_dma source(%dma_start3A_29 : memref<1000000x128xf32, #tpu.memory_space<hbm>>) target(%dma_start3A_23 : memref<128x128xf32, #tpu.memory_space<vmem>>) offsets(%dma_start3A_26 : memref<128xi32, #tpu.memory_space<vmem>>) semaphore(%dma_start3A_31 : memref<!tpu.dma_semaphore, #tpu.memory_space<semaphore_mem>>)
    %dma_start3A_32 = arith.constant 2 : i32
    %dma_start3A_33 = arith.constant 2 : i32
    %dma_start3A_34 = arith.constant 2 : i32
    %dma_start3A_35 = arith.constant 0 : i32
    %dma_start3A_36 = arith.constant 0 : i32
    %dma_start3A_37 = tpu.memref_slice %arg6[%dma_start3A_33, %dma_start3A_35, %dma_start3A_36] : memref<4x128x128xf32, #tpu.memory_space<vmem>> -> memref<1x128x128xf32, #tpu.memory_space<vmem>>
    %dma_start3A_38 = tpu.memref_squeeze %dma_start3A_37 : memref<1x128x128xf32, #tpu.memory_space<vmem>> -> memref<128x128xf32, #tpu.memory_space<vmem>>
    %dma_start3A_39 = arith.constant 0 : i32
    %dma_start3A_40 = tpu.memref_slice %arg5[%dma_start3A_32, %dma_start3A_39] : memref<200x128xi32, #tpu.memory_space<vmem>> -> memref<1x128xi32, #tpu.memory_space<vmem>>
    %dma_start3A_41 = tpu.memref_squeeze %dma_start3A_40 : memref<1x128xi32, #tpu.memory_space<vmem>> -> memref<128xi32, #tpu.memory_space<vmem>>
    %dma_start3A_42 = arith.constant 0 : i32
    %dma_start3A_43 = arith.constant 0 : i32
    %dma_start3A_44 = tpu.memref_slice %arg2[%dma_start3A_42, %dma_start3A_43] : memref<1000000x128xf32, #tpu.memory_space<hbm>> -> memref<1000000x128xf32, #tpu.memory_space<hbm>>
    %dma_start3A_45 = tpu.memref_slice %arg8[%dma_start3A_34] : memref<4x!tpu.dma_semaphore, #tpu.memory_space<semaphore_mem>> -> memref<1x!tpu.dma_semaphore, #tpu.memory_space<semaphore_mem>>
    %dma_start3A_46 = tpu.memref_squeeze %dma_start3A_45 : memref<1x!tpu.dma_semaphore, #tpu.memory_space<semaphore_mem>> -> memref<!tpu.dma_semaphore, #tpu.memory_space<semaphore_mem>>
    tpu.enqueue_indirect_dma source(%dma_start3A_44 : memref<1000000x128xf32, #tpu.memory_space<hbm>>) target(%dma_start3A_38 : memref<128x128xf32, #tpu.memory_space<vmem>>) offsets(%dma_start3A_41 : memref<128xi32, #tpu.memory_space<vmem>>) semaphore(%dma_start3A_46 : memref<!tpu.dma_semaphore, #tpu.memory_space<semaphore_mem>>)
    %dma_start3A_47 = arith.constant 3 : i32
    %dma_start3A_48 = arith.constant 3 : i32
    %dma_start3A_49 = arith.constant 3 : i32
    %dma_start3A_50 = arith.constant 0 : i32
    %dma_start3A_51 = arith.constant 0 : i32
    %dma_start3A_52 = tpu.memref_slice %arg6[%dma_start3A_48, %dma_start3A_50, %dma_start3A_51] : memref<4x128x128xf32, #tpu.memory_space<vmem>> -> memref<1x128x128xf32, #tpu.memory_space<vmem>>
    %dma_start3A_53 = tpu.memref_squeeze %dma_start3A_52 : memref<1x128x128xf32, #tpu.memory_space<vmem>> -> memref<128x128xf32, #tpu.memory_space<vmem>>
    %dma_start3A_54 = arith.constant 0 : i32
    %dma_start3A_55 = tpu.memref_slice %arg5[%dma_start3A_47, %dma_start3A_54] : memref<200x128xi32, #tpu.memory_space<vmem>> -> memref<1x128xi32, #tpu.memory_space<vmem>>
    %dma_start3A_56 = tpu.memref_squeeze %dma_start3A_55 : memref<1x128xi32, #tpu.memory_space<vmem>> -> memref<128xi32, #tpu.memory_space<vmem>>
    %dma_start3A_57 = arith.constant 0 : i32
    %dma_start3A_58 = arith.constant 0 : i32
    %dma_start3A_59 = tpu.memref_slice %arg2[%dma_start3A_57, %dma_start3A_58] : memref<1000000x128xf32, #tpu.memory_space<hbm>> -> memref<1000000x128xf32, #tpu.memory_space<hbm>>
    %dma_start3A_60 = tpu.memref_slice %arg8[%dma_start3A_49] : memref<4x!tpu.dma_semaphore, #tpu.memory_space<semaphore_mem>> -> memref<1x!tpu.dma_semaphore, #tpu.memory_space<semaphore_mem>>
    %dma_start3A_61 = tpu.memref_squeeze %dma_start3A_60 : memref<1x!tpu.dma_semaphore, #tpu.memory_space<semaphore_mem>> -> memref<!tpu.dma_semaphore, #tpu.memory_space<semaphore_mem>>
    tpu.enqueue_indirect_dma source(%dma_start3A_59 : memref<1000000x128xf32, #tpu.memory_space<hbm>>) target(%dma_start3A_53 : memref<128x128xf32, #tpu.memory_space<vmem>>) offsets(%dma_start3A_56 : memref<128xi32, #tpu.memory_space<vmem>>) semaphore(%dma_start3A_61 : memref<!tpu.dma_semaphore, #tpu.memory_space<semaphore_mem>>)
    %scan3A = arith.constant 0 : i32
    %scan3A_62 = arith.constant 50 : i32
    %scan3A_63 = arith.addi %scan3A, %scan3A_62 : i32
    %scan3A_64 = arith.constant 1 : i32
    scf.for %scan3A_112 = %scan3A to %scan3A_63 step %scan3A_64  : i32 {
      %mul3A_113 = arith.constant 4 : i32
      %mul3A_114 = arith.muli %scan3A_112, %mul3A_113 : i32
      %add3A_115 = arith.constant 0 : i32
      %add3A_116 = arith.addi %add3A_115, %mul3A_114 : i32
      %add3A_117 = arith.constant 0 : i32
      %add3A_118 = arith.addi %add3A_116, %add3A_117 : i32
      %dma_wait3A_119 = arith.constant 0 : i32
      %dma_wait3A_120 = arith.constant 0 : i32
      %dma_wait3A_121 = arith.constant 0 : i32
      %dma_wait3A_122 = arith.constant 0 : i32
      %dma_wait3A_123 = tpu.memref_slice %arg6[%dma_wait3A_119, %dma_wait3A_121, %dma_wait3A_122] : memref<4x128x128xf32, #tpu.memory_space<vmem>> -> memref<1x128x128xf32, #tpu.memory_space<vmem>>
      %dma_wait3A_124 = tpu.memref_squeeze %dma_wait3A_123 : memref<1x128x128xf32, #tpu.memory_space<vmem>> -> memref<128x128xf32, #tpu.memory_space<vmem>>
      %dma_wait3A_125 = arith.constant 0 : i32
      %dma_wait3A_126 = tpu.memref_slice %arg5[%add3A_118, %dma_wait3A_125] : memref<200x128xi32, #tpu.memory_space<vmem>> -> memref<1x128xi32, #tpu.memory_space<vmem>>
      %dma_wait3A_127 = tpu.memref_squeeze %dma_wait3A_126 : memref<1x128xi32, #tpu.memory_space<vmem>> -> memref<128xi32, #tpu.memory_space<vmem>>
      %dma_wait3A_128 = arith.constant 0 : i32
      %dma_wait3A_129 = arith.constant 0 : i32
      %dma_wait3A_130 = tpu.memref_slice %arg2[%dma_wait3A_128, %dma_wait3A_129] : memref<1000000x128xf32, #tpu.memory_space<hbm>> -> memref<1000000x128xf32, #tpu.memory_space<hbm>>
      %dma_wait3A_131 = tpu.memref_slice %arg8[%dma_wait3A_120] : memref<4x!tpu.dma_semaphore, #tpu.memory_space<semaphore_mem>> -> memref<1x!tpu.dma_semaphore, #tpu.memory_space<semaphore_mem>>
      %dma_wait3A_132 = tpu.memref_squeeze %dma_wait3A_131 : memref<1x!tpu.dma_semaphore, #tpu.memory_space<semaphore_mem>> -> memref<!tpu.dma_semaphore, #tpu.memory_space<semaphore_mem>>
      tpu.wait_indirect_dma semaphore(%dma_wait3A_132 : memref<!tpu.dma_semaphore, #tpu.memory_space<semaphore_mem>>) src(%dma_wait3A_130 : memref<1000000x128xf32, #tpu.memory_space<hbm>>) dst(%dma_wait3A_124 : memref<128x128xf32, #tpu.memory_space<vmem>>)
      %gt3A = arith.constant 0 : i32
      %gt3A_133 = arith.cmpi sgt, %add3A_116, %gt3A : i32
      %convert_element_type3A = arith.extui %gt3A_133 : i1 to i32
      %cond3A = arith.constant 0 : i32
      %cond3A_134 = arith.cmpi ne, %convert_element_type3A, %cond3A : i32
      scf.if %cond3A_134 {
        %add3A_353 = arith.addi %mul3A_2, %add3A_118 : i32
        %sub3A_354 = arith.constant 2 : i32
        %sub3A_355 = arith.subi %add3A_353, %sub3A_354 : i32
        %mul3A_356 = arith.constant 128 : i32
        %mul3A_357 = arith.muli %sub3A_355, %mul3A_356 : i32
        %dma_wait3A_358 = arith.constant 0 : i32
        %dma_wait3A_359 = arith.constant 0 : i32
        %dma_wait3A_360 = arith.constant 0 : i32
        %dma_wait3A_361 = arith.constant 0 : i32
        %dma_wait3A_362 = tpu.memref_slice %arg7[%dma_wait3A_358, %dma_wait3A_360, %dma_wait3A_361] : memref<2x128x64xf32, #tpu.memory_space<vmem>> -> memref<1x128x64xf32, #tpu.memory_space<vmem>>
        %dma_wait3A_363 = tpu.memref_squeeze %dma_wait3A_362 : memref<1x128x64xf32, #tpu.memory_space<vmem>> -> memref<128x64xf32, #tpu.memory_space<vmem>>
        %dma_wait3A_364 = arith.constant 0 : i32
        %dma_wait3A_365 = tpu.memref_slice %arg4[%mul3A_357, %dma_wait3A_364] : memref<819200x64xf32, #tpu.memory_space<hbm>> -> memref<128x64xf32, #tpu.memory_space<hbm>>
        %dma_wait3A_366 = tpu.memref_slice %arg9[%dma_wait3A_359] : memref<2x!tpu.dma_semaphore, #tpu.memory_space<semaphore_mem>> -> memref<1x!tpu.dma_semaphore, #tpu.memory_space<semaphore_mem>>
        %dma_wait3A_367 = tpu.memref_squeeze %dma_wait3A_366 : memref<1x!tpu.dma_semaphore, #tpu.memory_space<semaphore_mem>> -> memref<!tpu.dma_semaphore, #tpu.memory_space<semaphore_mem>>
        %dma_wait3A_368 = arith.constant 0 : i32
        %dma_wait3A_369 = tpu.memref_slice %arg4[%mul3A_357, %dma_wait3A_368] : memref<819200x64xf32, #tpu.memory_space<hbm>> -> memref<128x64xf32, #tpu.memory_space<hbm>>
        %dma_wait3A_370 = arith.constant 0 : i32
        %dma_wait3A_371 = arith.constant 0 : i32
        %dma_wait3A_372 = tpu.memref_slice %arg7[%dma_wait3A_358, %dma_wait3A_370, %dma_wait3A_371] : memref<2x128x64xf32, #tpu.memory_space<vmem>> -> memref<1x128x64xf32, #tpu.memory_space<vmem>>
        %dma_wait3A_373 = tpu.memref_squeeze %dma_wait3A_372 : memref<1x128x64xf32, #tpu.memory_space<vmem>> -> memref<128x64xf32, #tpu.memory_space<vmem>>
        tpu.wait_dma2 semaphore(%dma_wait3A_367 : memref<!tpu.dma_semaphore, #tpu.memory_space<semaphore_mem>>) src(%dma_wait3A_373 : memref<128x64xf32, #tpu.memory_space<vmem>>) dst(%dma_wait3A_369 : memref<128x64xf32, #tpu.memory_space<hbm>>)
      } else {
      }
      %scan3A_135 = arith.constant 0 : i32
      %scan3A_136 = arith.constant 128 : i32
      %scan3A_137 = arith.addi %scan3A_135, %scan3A_136 : i32
      %scan3A_138 = arith.constant 1 : i32
      scf.for %scan3A_353 = %scan3A_135 to %scan3A_137 step %scan3A_138  : i32 {
        %mul3A_354 = arith.constant 1 : i32
        %mul3A_355 = arith.muli %scan3A_353, %mul3A_354 : i32
        %add3A_356 = arith.constant 0 : i32
        %add3A_357 = arith.addi %add3A_356, %mul3A_355 : i32
        %get3A = arith.constant 0 : i32
        %get3A_358 = arith.index_cast %get3A : i32 to index
        %get3A_359 = arith.index_cast %add3A_357 : i32 to index
        %get3A_360 = arith.constant 0 : index
        %get3A_361 = tpu.vector_load %arg6[%get3A_358, %get3A_359, %get3A_360] {strides = array<i32>} : memref<4x128x128xf32, #tpu.memory_space<vmem>>, vector<1x1x16xf32>,
        %get3A_362 = vector.shape_cast %get3A_361 : vector<1x1x16xf32> to vector<16xf32>
        %mul3A_363 = arith.constant 8.000000e+00 : f32
        %mul3A_364 = vector.broadcast %mul3A_363 : f32 to vector<16xf32>
        %mul3A_365 = arith.mulf %get3A_362, %mul3A_364 : vector<16xf32>
        %swap3A = arith.constant 0 : i32
        %swap3A_366 = arith.index_cast %swap3A : i32 to index
        %swap3A_367 = arith.index_cast %add3A_357 : i32 to index
        %swap3A_368 = arith.constant 0 : index
        %swap3A_369 = tpu.vector_load %arg7[%swap3A_366, %swap3A_367, %swap3A_368] {strides = array<i32>} : memref<2x128x64xf32, #tpu.memory_space<vmem>>, vector<1x1x16xf32>,
        %swap3A_370 = vector.shape_cast %swap3A_369 : vector<1x1x16xf32> to vector<16xf32>
        %swap3A_371 = vector.shape_cast %mul3A_365 : vector<16xf32> to vector<1x1x16xf32>
        tpu.vector_store %arg7[%swap3A_366, %swap3A_367, %swap3A_368], %swap3A_371 {strides = array<i32>} : memref<2x128x64xf32, #tpu.memory_space<vmem>>, vector<1x1x16xf32>,
        %get3A_372 = arith.constant 0 : i32
        %get3A_373 = arith.index_cast %get3A_372 : i32 to index
        %get3A_374 = arith.index_cast %add3A_357 : i32 to index
        %get3A_375 = arith.constant 16 : index
        %get3A_376 = tpu.vector_load %arg6[%get3A_373, %get3A_374, %get3A_375] {strides = array<i32>} : memref<4x128x128xf32, #tpu.memory_space<vmem>>, vector<1x1x16xf32>,
        %get3A_377 = vector.shape_cast %get3A_376 : vector<1x1x16xf32> to vector<16xf32>
        %mul3A_378 = arith.constant 8.000000e+00 : f32
        %mul3A_379 = vector.broadcast %mul3A_378 : f32 to vector<16xf32>
        %mul3A_380 = arith.mulf %get3A_377, %mul3A_379 : vector<16xf32>
        %swap3A_381 = arith.constant 0 : i32
        %swap3A_382 = arith.index_cast %swap3A_381 : i32 to index
        %swap3A_383 = arith.index_cast %add3A_357 : i32 to index
        %swap3A_384 = arith.constant 16 : index
        %swap3A_385 = tpu.vector_load %arg7[%swap3A_382, %swap3A_383, %swap3A_384] {strides = array<i32>} : memref<2x128x64xf32, #tpu.memory_space<vmem>>, vector<1x1x16xf32>,
        %swap3A_386 = vector.shape_cast %swap3A_385 : vector<1x1x16xf32> to vector<16xf32>
        %swap3A_387 = vector.shape_cast %mul3A_380 : vector<16xf32> to vector<1x1x16xf32>
        tpu.vector_store %arg7[%swap3A_382, %swap3A_383, %swap3A_384], %swap3A_387 {strides = array<i32>} : memref<2x128x64xf32, #tpu.memory_space<vmem>>, vector<1x1x16xf32>,
        %get3A_388 = arith.constant 0 : i32
        %get3A_389 = arith.index_cast %get3A_388 : i32 to index
        %get3A_390 = arith.index_cast %add3A_357 : i32 to index
        %get3A_391 = arith.constant 32 : index
        %get3A_392 = tpu.vector_load %arg6[%get3A_389, %get3A_390, %get3A_391] {strides = array<i32>} : memref<4x128x128xf32, #tpu.memory_space<vmem>>, vector<1x1x16xf32>,
        %get3A_393 = vector.shape_cast %get3A_392 : vector<1x1x16xf32> to vector<16xf32>
        %mul3A_394 = arith.constant 8.000000e+00 : f32
        %mul3A_395 = vector.broadcast %mul3A_394 : f32 to vector<16xf32>
        %mul3A_396 = arith.mulf %get3A_393, %mul3A_395 : vector<16xf32>
        %swap3A_397 = arith.constant 0 : i32
        %swap3A_398 = arith.index_cast %swap3A_397 : i32 to index
        %swap3A_399 = arith.index_cast %add3A_357 : i32 to index
        %swap3A_400 = arith.constant 32 : index
        %swap3A_401 = tpu.vector_load %arg7[%swap3A_398, %swap3A_399, %swap3A_400] {strides = array<i32>} : memref<2x128x64xf32, #tpu.memory_space<vmem>>, vector<1x1x16xf32>,
        %swap3A_402 = vector.shape_cast %swap3A_401 : vector<1x1x16xf32> to vector<16xf32>
        %swap3A_403 = vector.shape_cast %mul3A_396 : vector<16xf32> to vector<1x1x16xf32>
        tpu.vector_store %arg7[%swap3A_398, %swap3A_399, %swap3A_400], %swap3A_403 {strides = array<i32>} : memref<2x128x64xf32, #tpu.memory_space<vmem>>, vector<1x1x16xf32>,
        %get3A_404 = arith.constant 0 : i32
        %get3A_405 = arith.index_cast %get3A_404 : i32 to index
        %get3A_406 = arith.index_cast %add3A_357 : i32 to index
        %get3A_407 = arith.constant 48 : index
        %get3A_408 = tpu.vector_load %arg6[%get3A_405, %get3A_406, %get3A_407] {strides = array<i32>} : memref<4x128x128xf32, #tpu.memory_space<vmem>>, vector<1x1x16xf32>,
        %get3A_409 = vector.shape_cast %get3A_408 : vector<1x1x16xf32> to vector<16xf32>
        %mul3A_410 = arith.constant 8.000000e+00 : f32
        %mul3A_411 = vector.broadcast %mul3A_410 : f32 to vector<16xf32>
        %mul3A_412 = arith.mulf %get3A_409, %mul3A_411 : vector<16xf32>
        %swap3A_413 = arith.constant 0 : i32
        %swap3A_414 = arith.index_cast %swap3A_413 : i32 to index
        %swap3A_415 = arith.index_cast %add3A_357 : i32 to index
        %swap3A_416 = arith.constant 48 : index
        %swap3A_417 = tpu.vector_load %arg7[%swap3A_414, %swap3A_415, %swap3A_416] {strides = array<i32>} : memref<2x128x64xf32, #tpu.memory_space<vmem>>, vector<1x1x16xf32>,
        %swap3A_418 = vector.shape_cast %swap3A_417 : vector<1x1x16xf32> to vector<16xf32>
        %swap3A_419 = vector.shape_cast %mul3A_412 : vector<16xf32> to vector<1x1x16xf32>
        tpu.vector_store %arg7[%swap3A_414, %swap3A_415, %swap3A_416], %swap3A_419 {strides = array<i32>} : memref<2x128x64xf32, #tpu.memory_space<vmem>>, vector<1x1x16xf32>,
      }
      %scan3A_139 = arith.constant 128 : i32
      %add3A_140 = arith.addi %mul3A_2, %add3A_118 : i32
      %mul3A_141 = arith.constant 128 : i32
      %mul3A_142 = arith.muli %add3A_140, %mul3A_141 : i32
      %dma_start3A_143 = arith.constant 0 : i32
      %dma_start3A_144 = arith.constant 0 : i32
      %dma_start3A_145 = arith.constant 0 : i32
      %dma_start3A_146 = arith.constant 0 : i32
      %dma_start3A_147 = tpu.memref_slice %arg7[%dma_start3A_143, %dma_start3A_145, %dma_start3A_146] : memref<2x128x64xf32, #tpu.memory_space<vmem>> -> memref<1x128x64xf32, #tpu.memory_space<vmem>>
      %dma_start3A_148 = tpu.memref_squeeze %dma_start3A_147 : memref<1x128x64xf32, #tpu.memory_space<vmem>> -> memref<128x64xf32, #tpu.memory_space<vmem>>
      %dma_start3A_149 = arith.constant 0 : i32
      %dma_start3A_150 = tpu.memref_slice %arg4[%mul3A_142, %dma_start3A_149] : memref<819200x64xf32, #tpu.memory_space<hbm>> -> memref<128x64xf32, #tpu.memory_space<hbm>>
      %dma_start3A_151 = tpu.memref_slice %arg9[%dma_start3A_144] : memref<2x!tpu.dma_semaphore, #tpu.memory_space<semaphore_mem>> -> memref<1x!tpu.dma_semaphore, #tpu.memory_space<semaphore_mem>>
      %dma_start3A_152 = tpu.memref_squeeze %dma_start3A_151 : memref<1x!tpu.dma_semaphore, #tpu.memory_space<semaphore_mem>> -> memref<!tpu.dma_semaphore, #tpu.memory_space<semaphore_mem>>
      %dma_start3A_153 = arith.constant 0 : i32
      %dma_start3A_154 = tpu.memref_slice %arg4[%mul3A_142, %dma_start3A_153] : memref<819200x64xf32, #tpu.memory_space<hbm>> -> memref<128x64xf32, #tpu.memory_space<hbm>>
      %dma_start3A_155 = arith.constant 0 : i32
      %dma_start3A_156 = arith.constant 0 : i32
      %dma_start3A_157 = tpu.memref_slice %arg7[%dma_start3A_143, %dma_start3A_155, %dma_start3A_156] : memref<2x128x64xf32, #tpu.memory_space<vmem>> -> memref<1x128x64xf32, #tpu.memory_space<vmem>>
      %dma_start3A_158 = tpu.memref_squeeze %dma_start3A_157 : memref<1x128x64xf32, #tpu.memory_space<vmem>> -> memref<128x64xf32, #tpu.memory_space<vmem>>
      tpu.enqueue_dma source(%dma_start3A_158 : memref<128x64xf32, #tpu.memory_space<vmem>>) target(%dma_start3A_154 : memref<128x64xf32, #tpu.memory_space<hbm>>) target_semaphore(%dma_start3A_152 : memref<!tpu.dma_semaphore, #tpu.memory_space<semaphore_mem>>)
      %add3A_159 = arith.constant 4 : i32
      %add3A_160 = arith.addi %add3A_118, %add3A_159 : i32
      %lt3A = arith.constant 200 : i32
      %lt3A_161 = arith.cmpi slt, %add3A_160, %lt3A : i32
      %convert_element_type3A_162 = arith.extui %lt3A_161 : i1 to i32
      %cond3A_163 = arith.constant 0 : i32
      %cond3A_164 = arith.cmpi ne, %convert_element_type3A_162, %cond3A_163 : i32
      scf.if %cond3A_164 {
        %add3A_353 = arith.constant 4 : i32
        %add3A_354 = arith.addi %add3A_118, %add3A_353 : i32
        %dma_start3A_355 = arith.constant 0 : i32
        %dma_start3A_356 = arith.constant 0 : i32
        %dma_start3A_357 = arith.constant 0 : i32
        %dma_start3A_358 = arith.constant 0 : i32
        %dma_start3A_359 = tpu.memref_slice %arg6[%dma_start3A_355, %dma_start3A_357, %dma_start3A_358] : memref<4x128x128xf32, #tpu.memory_space<vmem>> -> memref<1x128x128xf32, #tpu.memory_space<vmem>>
        %dma_start3A_360 = tpu.memref_squeeze %dma_start3A_359 : memref<1x128x128xf32, #tpu.memory_space<vmem>> -> memref<128x128xf32, #tpu.memory_space<vmem>>
        %dma_start3A_361 = arith.constant 0 : i32
        %dma_start3A_362 = tpu.memref_slice %arg5[%add3A_354, %dma_start3A_361] : memref<200x128xi32, #tpu.memory_space<vmem>> -> memref<1x128xi32, #tpu.memory_space<vmem>>
        %dma_start3A_363 = tpu.memref_squeeze %dma_start3A_362 : memref<1x128xi32, #tpu.memory_space<vmem>> -> memref<128xi32, #tpu.memory_space<vmem>>
        %dma_start3A_364 = arith.constant 0 : i32
        %dma_start3A_365 = arith.constant 0 : i32
        %dma_start3A_366 = tpu.memref_slice %arg2[%dma_start3A_364, %dma_start3A_365] : memref<1000000x128xf32, #tpu.memory_space<hbm>> -> memref<1000000x128xf32, #tpu.memory_space<hbm>>
        %dma_start3A_367 = tpu.memref_slice %arg8[%dma_start3A_356] : memref<4x!tpu.dma_semaphore, #tpu.memory_space<semaphore_mem>> -> memref<1x!tpu.dma_semaphore, #tpu.memory_space<semaphore_mem>>
        %dma_start3A_368 = tpu.memref_squeeze %dma_start3A_367 : memref<1x!tpu.dma_semaphore, #tpu.memory_space<semaphore_mem>> -> memref<!tpu.dma_semaphore, #tpu.memory_space<semaphore_mem>>
        tpu.enqueue_indirect_dma source(%dma_start3A_366 : memref<1000000x128xf32, #tpu.memory_space<hbm>>) target(%dma_start3A_360 : memref<128x128xf32, #tpu.memory_space<vmem>>) offsets(%dma_start3A_363 : memref<128xi32, #tpu.memory_space<vmem>>) semaphore(%dma_start3A_368 : memref<!tpu.dma_semaphore, #tpu.memory_space<semaphore_mem>>)
      } else {
      }
      %add3A_165 = arith.constant 1 : i32
      %add3A_166 = arith.addi %add3A_116, %add3A_165 : i32
      %dma_wait3A_167 = arith.constant 1 : i32
      %dma_wait3A_168 = arith.constant 1 : i32
      %dma_wait3A_169 = arith.constant 0 : i32
      %dma_wait3A_170 = arith.constant 0 : i32
      %dma_wait3A_171 = tpu.memref_slice %arg6[%dma_wait3A_167, %dma_wait3A_169, %dma_wait3A_170] : memref<4x128x128xf32, #tpu.memory_space<vmem>> -> memref<1x128x128xf32, #tpu.memory_space<vmem>>
      %dma_wait3A_172 = tpu.memref_squeeze %dma_wait3A_171 : memref<1x128x128xf32, #tpu.memory_space<vmem>> -> memref<128x128xf32, #tpu.memory_space<vmem>>
      %dma_wait3A_173 = arith.constant 0 : i32
      %dma_wait3A_174 = tpu.memref_slice %arg5[%add3A_166, %dma_wait3A_173] : memref<200x128xi32, #tpu.memory_space<vmem>> -> memref<1x128xi32, #tpu.memory_space<vmem>>
      %dma_wait3A_175 = tpu.memref_squeeze %dma_wait3A_174 : memref<1x128xi32, #tpu.memory_space<vmem>> -> memref<128xi32, #tpu.memory_space<vmem>>
      %dma_wait3A_176 = arith.constant 0 : i32
      %dma_wait3A_177 = arith.constant 0 : i32
      %dma_wait3A_178 = tpu.memref_slice %arg2[%dma_wait3A_176, %dma_wait3A_177] : memref<1000000x128xf32, #tpu.memory_space<hbm>> -> memref<1000000x128xf32, #tpu.memory_space<hbm>>
      %dma_wait3A_179 = tpu.memref_slice %arg8[%dma_wait3A_168] : memref<4x!tpu.dma_semaphore, #tpu.memory_space<semaphore_mem>> -> memref<1x!tpu.dma_semaphore, #tpu.memory_space<semaphore_mem>>
      %dma_wait3A_180 = tpu.memref_squeeze %dma_wait3A_179 : memref<1x!tpu.dma_semaphore, #tpu.memory_space<semaphore_mem>> -> memref<!tpu.dma_semaphore, #tpu.memory_space<semaphore_mem>>
      tpu.wait_indirect_dma semaphore(%dma_wait3A_180 : memref<!tpu.dma_semaphore, #tpu.memory_space<semaphore_mem>>) src(%dma_wait3A_178 : memref<1000000x128xf32, #tpu.memory_space<hbm>>) dst(%dma_wait3A_172 : memref<128x128xf32, #tpu.memory_space<vmem>>)
      %gt3A_181 = arith.constant 0 : i32
      %gt3A_182 = arith.cmpi sgt, %add3A_116, %gt3A_181 : i32
      %convert_element_type3A_183 = arith.extui %gt3A_182 : i1 to i32
      %cond3A_184 = arith.constant 0 : i32
      %cond3A_185 = arith.cmpi ne, %convert_element_type3A_183, %cond3A_184 : i32
      scf.if %cond3A_185 {
        %add3A_353 = arith.addi %mul3A_2, %add3A_166 : i32
        %sub3A_354 = arith.constant 2 : i32
        %sub3A_355 = arith.subi %add3A_353, %sub3A_354 : i32
        %mul3A_356 = arith.constant 128 : i32
        %mul3A_357 = arith.muli %sub3A_355, %mul3A_356 : i32
        %dma_wait3A_358 = arith.constant 1 : i32
        %dma_wait3A_359 = arith.constant 1 : i32
        %dma_wait3A_360 = arith.constant 0 : i32
        %dma_wait3A_361 = arith.constant 0 : i32
        %dma_wait3A_362 = tpu.memref_slice %arg7[%dma_wait3A_358, %dma_wait3A_360, %dma_wait3A_361] : memref<2x128x64xf32, #tpu.memory_space<vmem>> -> memref<1x128x64xf32, #tpu.memory_space<vmem>>
        %dma_wait3A_363 = tpu.memref_squeeze %dma_wait3A_362 : memref<1x128x64xf32, #tpu.memory_space<vmem>> -> memref<128x64xf32, #tpu.memory_space<vmem>>
        %dma_wait3A_364 = arith.constant 0 : i32
        %dma_wait3A_365 = tpu.memref_slice %arg4[%mul3A_357, %dma_wait3A_364] : memref<819200x64xf32, #tpu.memory_space<hbm>> -> memref<128x64xf32, #tpu.memory_space<hbm>>
        %dma_wait3A_366 = tpu.memref_slice %arg9[%dma_wait3A_359] : memref<2x!tpu.dma_semaphore, #tpu.memory_space<semaphore_mem>> -> memref<1x!tpu.dma_semaphore, #tpu.memory_space<semaphore_mem>>
        %dma_wait3A_367 = tpu.memref_squeeze %dma_wait3A_366 : memref<1x!tpu.dma_semaphore, #tpu.memory_space<semaphore_mem>> -> memref<!tpu.dma_semaphore, #tpu.memory_space<semaphore_mem>>
        %dma_wait3A_368 = arith.constant 0 : i32
        %dma_wait3A_369 = tpu.memref_slice %arg4[%mul3A_357, %dma_wait3A_368] : memref<819200x64xf32, #tpu.memory_space<hbm>> -> memref<128x64xf32, #tpu.memory_space<hbm>>
        %dma_wait3A_370 = arith.constant 0 : i32
        %dma_wait3A_371 = arith.constant 0 : i32
        %dma_wait3A_372 = tpu.memref_slice %arg7[%dma_wait3A_358, %dma_wait3A_370, %dma_wait3A_371] : memref<2x128x64xf32, #tpu.memory_space<vmem>> -> memref<1x128x64xf32, #tpu.memory_space<vmem>>
        %dma_wait3A_373 = tpu.memref_squeeze %dma_wait3A_372 : memref<1x128x64xf32, #tpu.memory_space<vmem>> -> memref<128x64xf32, #tpu.memory_space<vmem>>
        tpu.wait_dma2 semaphore(%dma_wait3A_367 : memref<!tpu.dma_semaphore, #tpu.memory_space<semaphore_mem>>) src(%dma_wait3A_373 : memref<128x64xf32, #tpu.memory_space<vmem>>) dst(%dma_wait3A_369 : memref<128x64xf32, #tpu.memory_space<hbm>>)
      } else {
      }
      %scan3A_186 = arith.constant 0 : i32
      %scan3A_187 = arith.constant 128 : i32
      %scan3A_188 = arith.addi %scan3A_186, %scan3A_187 : i32
      %scan3A_189 = arith.constant 1 : i32
      scf.for %scan3A_353 = %scan3A_186 to %scan3A_188 step %scan3A_189  : i32 {
        %mul3A_354 = arith.constant 1 : i32
        %mul3A_355 = arith.muli %scan3A_353, %mul3A_354 : i32
        %add3A_356 = arith.constant 0 : i32
        %add3A_357 = arith.addi %add3A_356, %mul3A_355 : i32
        %get3A = arith.constant 1 : i32
        %get3A_358 = arith.index_cast %get3A : i32 to index
        %get3A_359 = arith.index_cast %add3A_357 : i32 to index
        %get3A_360 = arith.constant 0 : index
        %get3A_361 = tpu.vector_load %arg6[%get3A_358, %get3A_359, %get3A_360] {strides = array<i32>} : memref<4x128x128xf32, #tpu.memory_space<vmem>>, vector<1x1x16xf32>,
        %get3A_362 = vector.shape_cast %get3A_361 : vector<1x1x16xf32> to vector<16xf32>
        %mul3A_363 = arith.constant 8.000000e+00 : f32
        %mul3A_364 = vector.broadcast %mul3A_363 : f32 to vector<16xf32>
        %mul3A_365 = arith.mulf %get3A_362, %mul3A_364 : vector<16xf32>
        %swap3A = arith.constant 1 : i32
        %swap3A_366 = arith.index_cast %swap3A : i32 to index
        %swap3A_367 = arith.index_cast %add3A_357 : i32 to index
        %swap3A_368 = arith.constant 0 : index
        %swap3A_369 = tpu.vector_load %arg7[%swap3A_366, %swap3A_367, %swap3A_368] {strides = array<i32>} : memref<2x128x64xf32, #tpu.memory_space<vmem>>, vector<1x1x16xf32>,
        %swap3A_370 = vector.shape_cast %swap3A_369 : vector<1x1x16xf32> to vector<16xf32>
        %swap3A_371 = vector.shape_cast %mul3A_365 : vector<16xf32> to vector<1x1x16xf32>
        tpu.vector_store %arg7[%swap3A_366, %swap3A_367, %swap3A_368], %swap3A_371 {strides = array<i32>} : memref<2x128x64xf32, #tpu.memory_space<vmem>>, vector<1x1x16xf32>,
        %get3A_372 = arith.constant 1 : i32
        %get3A_373 = arith.index_cast %get3A_372 : i32 to index
        %get3A_374 = arith.index_cast %add3A_357 : i32 to index
        %get3A_375 = arith.constant 16 : index
        %get3A_376 = tpu.vector_load %arg6[%get3A_373, %get3A_374, %get3A_375] {strides = array<i32>} : memref<4x128x128xf32, #tpu.memory_space<vmem>>, vector<1x1x16xf32>,
        %get3A_377 = vector.shape_cast %get3A_376 : vector<1x1x16xf32> to vector<16xf32>
        %mul3A_378 = arith.constant 8.000000e+00 : f32
        %mul3A_379 = vector.broadcast %mul3A_378 : f32 to vector<16xf32>
        %mul3A_380 = arith.mulf %get3A_377, %mul3A_379 : vector<16xf32>
        %swap3A_381 = arith.constant 1 : i32
        %swap3A_382 = arith.index_cast %swap3A_381 : i32 to index
        %swap3A_383 = arith.index_cast %add3A_357 : i32 to index
        %swap3A_384 = arith.constant 16 : index
        %swap3A_385 = tpu.vector_load %arg7[%swap3A_382, %swap3A_383, %swap3A_384] {strides = array<i32>} : memref<2x128x64xf32, #tpu.memory_space<vmem>>, vector<1x1x16xf32>,
        %swap3A_386 = vector.shape_cast %swap3A_385 : vector<1x1x16xf32> to vector<16xf32>
        %swap3A_387 = vector.shape_cast %mul3A_380 : vector<16xf32> to vector<1x1x16xf32>
        tpu.vector_store %arg7[%swap3A_382, %swap3A_383, %swap3A_384], %swap3A_387 {strides = array<i32>} : memref<2x128x64xf32, #tpu.memory_space<vmem>>, vector<1x1x16xf32>,
        %get3A_388 = arith.constant 1 : i32
        %get3A_389 = arith.index_cast %get3A_388 : i32 to index
        %get3A_390 = arith.index_cast %add3A_357 : i32 to index
        %get3A_391 = arith.constant 32 : index
        %get3A_392 = tpu.vector_load %arg6[%get3A_389, %get3A_390, %get3A_391] {strides = array<i32>} : memref<4x128x128xf32, #tpu.memory_space<vmem>>, vector<1x1x16xf32>,
        %get3A_393 = vector.shape_cast %get3A_392 : vector<1x1x16xf32> to vector<16xf32>
        %mul3A_394 = arith.constant 8.000000e+00 : f32
        %mul3A_395 = vector.broadcast %mul3A_394 : f32 to vector<16xf32>
        %mul3A_396 = arith.mulf %get3A_393, %mul3A_395 : vector<16xf32>
        %swap3A_397 = arith.constant 1 : i32
        %swap3A_398 = arith.index_cast %swap3A_397 : i32 to index
        %swap3A_399 = arith.index_cast %add3A_357 : i32 to index
        %swap3A_400 = arith.constant 32 : index
        %swap3A_401 = tpu.vector_load %arg7[%swap3A_398, %swap3A_399, %swap3A_400] {strides = array<i32>} : memref<2x128x64xf32, #tpu.memory_space<vmem>>, vector<1x1x16xf32>,
        %swap3A_402 = vector.shape_cast %swap3A_401 : vector<1x1x16xf32> to vector<16xf32>
        %swap3A_403 = vector.shape_cast %mul3A_396 : vector<16xf32> to vector<1x1x16xf32>
        tpu.vector_store %arg7[%swap3A_398, %swap3A_399, %swap3A_400], %swap3A_403 {strides = array<i32>} : memref<2x128x64xf32, #tpu.memory_space<vmem>>, vector<1x1x16xf32>,
        %get3A_404 = arith.constant 1 : i32
        %get3A_405 = arith.index_cast %get3A_404 : i32 to index
        %get3A_406 = arith.index_cast %add3A_357 : i32 to index
        %get3A_407 = arith.constant 48 : index
        %get3A_408 = tpu.vector_load %arg6[%get3A_405, %get3A_406, %get3A_407] {strides = array<i32>} : memref<4x128x128xf32, #tpu.memory_space<vmem>>, vector<1x1x16xf32>,
        %get3A_409 = vector.shape_cast %get3A_408 : vector<1x1x16xf32> to vector<16xf32>
        %mul3A_410 = arith.constant 8.000000e+00 : f32
        %mul3A_411 = vector.broadcast %mul3A_410 : f32 to vector<16xf32>
        %mul3A_412 = arith.mulf %get3A_409, %mul3A_411 : vector<16xf32>
        %swap3A_413 = arith.constant 1 : i32
        %swap3A_414 = arith.index_cast %swap3A_413 : i32 to index
        %swap3A_415 = arith.index_cast %add3A_357 : i32 to index
        %swap3A_416 = arith.constant 48 : index
        %swap3A_417 = tpu.vector_load %arg7[%swap3A_414, %swap3A_415, %swap3A_416] {strides = array<i32>} : memref<2x128x64xf32, #tpu.memory_space<vmem>>, vector<1x1x16xf32>,
        %swap3A_418 = vector.shape_cast %swap3A_417 : vector<1x1x16xf32> to vector<16xf32>
        %swap3A_419 = vector.shape_cast %mul3A_412 : vector<16xf32> to vector<1x1x16xf32>
        tpu.vector_store %arg7[%swap3A_414, %swap3A_415, %swap3A_416], %swap3A_419 {strides = array<i32>} : memref<2x128x64xf32, #tpu.memory_space<vmem>>, vector<1x1x16xf32>,
      }
      %scan3A_190 = arith.constant 128 : i32
      %add3A_191 = arith.addi %mul3A_2, %add3A_166 : i32
      %mul3A_192 = arith.constant 128 : i32
      %mul3A_193 = arith.muli %add3A_191, %mul3A_192 : i32
      %dma_start3A_194 = arith.constant 1 : i32
      %dma_start3A_195 = arith.constant 1 : i32
      %dma_start3A_196 = arith.constant 0 : i32
      %dma_start3A_197 = arith.constant 0 : i32
      %dma_start3A_198 = tpu.memref_slice %arg7[%dma_start3A_194, %dma_start3A_196, %dma_start3A_197] : memref<2x128x64xf32, #tpu.memory_space<vmem>> -> memref<1x128x64xf32, #tpu.memory_space<vmem>>
      %dma_start3A_199 = tpu.memref_squeeze %dma_start3A_198 : memref<1x128x64xf32, #tpu.memory_space<vmem>> -> memref<128x64xf32, #tpu.memory_space<vmem>>
      %dma_start3A_200 = arith.constant 0 : i32
      %dma_start3A_201 = tpu.memref_slice %arg4[%mul3A_193, %dma_start3A_200] : memref<819200x64xf32, #tpu.memory_space<hbm>> -> memref<128x64xf32, #tpu.memory_space<hbm>>
      %dma_start3A_202 = tpu.memref_slice %arg9[%dma_start3A_195] : memref<2x!tpu.dma_semaphore, #tpu.memory_space<semaphore_mem>> -> memref<1x!tpu.dma_semaphore, #tpu.memory_space<semaphore_mem>>
      %dma_start3A_203 = tpu.memref_squeeze %dma_start3A_202 : memref<1x!tpu.dma_semaphore, #tpu.memory_space<semaphore_mem>> -> memref<!tpu.dma_semaphore, #tpu.memory_space<semaphore_mem>>
      %dma_start3A_204 = arith.constant 0 : i32
      %dma_start3A_205 = tpu.memref_slice %arg4[%mul3A_193, %dma_start3A_204] : memref<819200x64xf32, #tpu.memory_space<hbm>> -> memref<128x64xf32, #tpu.memory_space<hbm>>
      %dma_start3A_206 = arith.constant 0 : i32
      %dma_start3A_207 = arith.constant 0 : i32
      %dma_start3A_208 = tpu.memref_slice %arg7[%dma_start3A_194, %dma_start3A_206, %dma_start3A_207] : memref<2x128x64xf32, #tpu.memory_space<vmem>> -> memref<1x128x64xf32, #tpu.memory_space<vmem>>
      %dma_start3A_209 = tpu.memref_squeeze %dma_start3A_208 : memref<1x128x64xf32, #tpu.memory_space<vmem>> -> memref<128x64xf32, #tpu.memory_space<vmem>>
      tpu.enqueue_dma source(%dma_start3A_209 : memref<128x64xf32, #tpu.memory_space<vmem>>) target(%dma_start3A_205 : memref<128x64xf32, #tpu.memory_space<hbm>>) target_semaphore(%dma_start3A_203 : memref<!tpu.dma_semaphore, #tpu.memory_space<semaphore_mem>>)
      %add3A_210 = arith.constant 4 : i32
      %add3A_211 = arith.addi %add3A_166, %add3A_210 : i32
      %lt3A_212 = arith.constant 200 : i32
      %lt3A_213 = arith.cmpi slt, %add3A_211, %lt3A_212 : i32
      %convert_element_type3A_214 = arith.extui %lt3A_213 : i1 to i32
      %cond3A_215 = arith.constant 0 : i32
      %cond3A_216 = arith.cmpi ne, %convert_element_type3A_214, %cond3A_215 : i32
      scf.if %cond3A_216 {
        %add3A_353 = arith.constant 4 : i32
        %add3A_354 = arith.addi %add3A_166, %add3A_353 : i32
        %dma_start3A_355 = arith.constant 1 : i32
        %dma_start3A_356 = arith.constant 1 : i32
        %dma_start3A_357 = arith.constant 0 : i32
        %dma_start3A_358 = arith.constant 0 : i32
        %dma_start3A_359 = tpu.memref_slice %arg6[%dma_start3A_355, %dma_start3A_357, %dma_start3A_358] : memref<4x128x128xf32, #tpu.memory_space<vmem>> -> memref<1x128x128xf32, #tpu.memory_space<vmem>>
        %dma_start3A_360 = tpu.memref_squeeze %dma_start3A_359 : memref<1x128x128xf32, #tpu.memory_space<vmem>> -> memref<128x128xf32, #tpu.memory_space<vmem>>
        %dma_start3A_361 = arith.constant 0 : i32
        %dma_start3A_362 = tpu.memref_slice %arg5[%add3A_354, %dma_start3A_361] : memref<200x128xi32, #tpu.memory_space<vmem>> -> memref<1x128xi32, #tpu.memory_space<vmem>>
        %dma_start3A_363 = tpu.memref_squeeze %dma_start3A_362 : memref<1x128xi32, #tpu.memory_space<vmem>> -> memref<128xi32, #tpu.memory_space<vmem>>
        %dma_start3A_364 = arith.constant 0 : i32
        %dma_start3A_365 = arith.constant 0 : i32
        %dma_start3A_366 = tpu.memref_slice %arg2[%dma_start3A_364, %dma_start3A_365] : memref<1000000x128xf32, #tpu.memory_space<hbm>> -> memref<1000000x128xf32, #tpu.memory_space<hbm>>
        %dma_start3A_367 = tpu.memref_slice %arg8[%dma_start3A_356] : memref<4x!tpu.dma_semaphore, #tpu.memory_space<semaphore_mem>> -> memref<1x!tpu.dma_semaphore, #tpu.memory_space<semaphore_mem>>
        %dma_start3A_368 = tpu.memref_squeeze %dma_start3A_367 : memref<1x!tpu.dma_semaphore, #tpu.memory_space<semaphore_mem>> -> memref<!tpu.dma_semaphore, #tpu.memory_space<semaphore_mem>>
        tpu.enqueue_indirect_dma source(%dma_start3A_366 : memref<1000000x128xf32, #tpu.memory_space<hbm>>) target(%dma_start3A_360 : memref<128x128xf32, #tpu.memory_space<vmem>>) offsets(%dma_start3A_363 : memref<128xi32, #tpu.memory_space<vmem>>) semaphore(%dma_start3A_368 : memref<!tpu.dma_semaphore, #tpu.memory_space<semaphore_mem>>)
      } else {
      }
      %add3A_217 = arith.constant 2 : i32
      %add3A_218 = arith.addi %add3A_116, %add3A_217 : i32
      %dma_wait3A_219 = arith.constant 2 : i32
      %dma_wait3A_220 = arith.constant 2 : i32
      %dma_wait3A_221 = arith.constant 0 : i32
      %dma_wait3A_222 = arith.constant 0 : i32
      %dma_wait3A_223 = tpu.memref_slice %arg6[%dma_wait3A_219, %dma_wait3A_221, %dma_wait3A_222] : memref<4x128x128xf32, #tpu.memory_space<vmem>> -> memref<1x128x128xf32, #tpu.memory_space<vmem>>
      %dma_wait3A_224 = tpu.memref_squeeze %dma_wait3A_223 : memref<1x128x128xf32, #tpu.memory_space<vmem>> -> memref<128x128xf32, #tpu.memory_space<vmem>>
      %dma_wait3A_225 = arith.constant 0 : i32
      %dma_wait3A_226 = tpu.memref_slice %arg5[%add3A_218, %dma_wait3A_225] : memref<200x128xi32, #tpu.memory_space<vmem>> -> memref<1x128xi32, #tpu.memory_space<vmem>>
      %dma_wait3A_227 = tpu.memref_squeeze %dma_wait3A_226 : memref<1x128xi32, #tpu.memory_space<vmem>> -> memref<128xi32, #tpu.memory_space<vmem>>
      %dma_wait3A_228 = arith.constant 0 : i32
      %dma_wait3A_229 = arith.constant 0 : i32
      %dma_wait3A_230 = tpu.memref_slice %arg2[%dma_wait3A_228, %dma_wait3A_229] : memref<1000000x128xf32, #tpu.memory_space<hbm>> -> memref<1000000x128xf32, #tpu.memory_space<hbm>>
      %dma_wait3A_231 = tpu.memref_slice %arg8[%dma_wait3A_220] : memref<4x!tpu.dma_semaphore, #tpu.memory_space<semaphore_mem>> -> memref<1x!tpu.dma_semaphore, #tpu.memory_space<semaphore_mem>>
      %dma_wait3A_232 = tpu.memref_squeeze %dma_wait3A_231 : memref<1x!tpu.dma_semaphore, #tpu.memory_space<semaphore_mem>> -> memref<!tpu.dma_semaphore, #tpu.memory_space<semaphore_mem>>
      tpu.wait_indirect_dma semaphore(%dma_wait3A_232 : memref<!tpu.dma_semaphore, #tpu.memory_space<semaphore_mem>>) src(%dma_wait3A_230 : memref<1000000x128xf32, #tpu.memory_space<hbm>>) dst(%dma_wait3A_224 : memref<128x128xf32, #tpu.memory_space<vmem>>)
      %add3A_233 = arith.addi %mul3A_2, %add3A_218 : i32
      %sub3A_234 = arith.constant 2 : i32
      %sub3A_235 = arith.subi %add3A_233, %sub3A_234 : i32
      %mul3A_236 = arith.constant 128 : i32
      %mul3A_237 = arith.muli %sub3A_235, %mul3A_236 : i32
      %dma_wait3A_238 = arith.constant 0 : i32
      %dma_wait3A_239 = arith.constant 0 : i32
      %dma_wait3A_240 = arith.constant 0 : i32
      %dma_wait3A_241 = arith.constant 0 : i32
      %dma_wait3A_242 = tpu.memref_slice %arg7[%dma_wait3A_238, %dma_wait3A_240, %dma_wait3A_241] : memref<2x128x64xf32, #tpu.memory_space<vmem>> -> memref<1x128x64xf32, #tpu.memory_space<vmem>>
      %dma_wait3A_243 = tpu.memref_squeeze %dma_wait3A_242 : memref<1x128x64xf32, #tpu.memory_space<vmem>> -> memref<128x64xf32, #tpu.memory_space<vmem>>
      %dma_wait3A_244 = arith.constant 0 : i32
      %dma_wait3A_245 = tpu.memref_slice %arg4[%mul3A_237, %dma_wait3A_244] : memref<819200x64xf32, #tpu.memory_space<hbm>> -> memref<128x64xf32, #tpu.memory_space<hbm>>
      %dma_wait3A_246 = tpu.memref_slice %arg9[%dma_wait3A_239] : memref<2x!tpu.dma_semaphore, #tpu.memory_space<semaphore_mem>> -> memref<1x!tpu.dma_semaphore, #tpu.memory_space<semaphore_mem>>
      %dma_wait3A_247 = tpu.memref_squeeze %dma_wait3A_246 : memref<1x!tpu.dma_semaphore, #tpu.memory_space<semaphore_mem>> -> memref<!tpu.dma_semaphore, #tpu.memory_space<semaphore_mem>>
      %dma_wait3A_248 = arith.constant 0 : i32
      %dma_wait3A_249 = tpu.memref_slice %arg4[%mul3A_237, %dma_wait3A_248] : memref<819200x64xf32, #tpu.memory_space<hbm>> -> memref<128x64xf32, #tpu.memory_space<hbm>>
      %dma_wait3A_250 = arith.constant 0 : i32
      %dma_wait3A_251 = arith.constant 0 : i32
      %dma_wait3A_252 = tpu.memref_slice %arg7[%dma_wait3A_238, %dma_wait3A_250, %dma_wait3A_251] : memref<2x128x64xf32, #tpu.memory_space<vmem>> -> memref<1x128x64xf32, #tpu.memory_space<vmem>>
      %dma_wait3A_253 = tpu.memref_squeeze %dma_wait3A_252 : memref<1x128x64xf32, #tpu.memory_space<vmem>> -> memref<128x64xf32, #tpu.memory_space<vmem>>
      tpu.wait_dma2 semaphore(%dma_wait3A_247 : memref<!tpu.dma_semaphore, #tpu.memory_space<semaphore_mem>>) src(%dma_wait3A_253 : memref<128x64xf32, #tpu.memory_space<vmem>>) dst(%dma_wait3A_249 : memref<128x64xf32, #tpu.memory_space<hbm>>)
      %scan3A_254 = arith.constant 0 : i32
      %scan3A_255 = arith.constant 128 : i32
      %scan3A_256 = arith.addi %scan3A_254, %scan3A_255 : i32
      %scan3A_257 = arith.constant 1 : i32
      scf.for %scan3A_353 = %scan3A_254 to %scan3A_256 step %scan3A_257  : i32 {
        %mul3A_354 = arith.constant 1 : i32
        %mul3A_355 = arith.muli %scan3A_353, %mul3A_354 : i32
        %add3A_356 = arith.constant 0 : i32
        %add3A_357 = arith.addi %add3A_356, %mul3A_355 : i32
        %get3A = arith.constant 2 : i32
        %get3A_358 = arith.index_cast %get3A : i32 to index
        %get3A_359 = arith.index_cast %add3A_357 : i32 to index
        %get3A_360 = arith.constant 0 : index
        %get3A_361 = tpu.vector_load %arg6[%get3A_358, %get3A_359, %get3A_360] {strides = array<i32>} : memref<4x128x128xf32, #tpu.memory_space<vmem>>, vector<1x1x16xf32>,
        %get3A_362 = vector.shape_cast %get3A_361 : vector<1x1x16xf32> to vector<16xf32>
        %mul3A_363 = arith.constant 8.000000e+00 : f32
        %mul3A_364 = vector.broadcast %mul3A_363 : f32 to vector<16xf32>
        %mul3A_365 = arith.mulf %get3A_362, %mul3A_364 : vector<16xf32>
        %swap3A = arith.constant 0 : i32
        %swap3A_366 = arith.index_cast %swap3A : i32 to index
        %swap3A_367 = arith.index_cast %add3A_357 : i32 to index
        %swap3A_368 = arith.constant 0 : index
        %swap3A_369 = tpu.vector_load %arg7[%swap3A_366, %swap3A_367, %swap3A_368] {strides = array<i32>} : memref<2x128x64xf32, #tpu.memory_space<vmem>>, vector<1x1x16xf32>,
        %swap3A_370 = vector.shape_cast %swap3A_369 : vector<1x1x16xf32> to vector<16xf32>
        %swap3A_371 = vector.shape_cast %mul3A_365 : vector<16xf32> to vector<1x1x16xf32>
        tpu.vector_store %arg7[%swap3A_366, %swap3A_367, %swap3A_368], %swap3A_371 {strides = array<i32>} : memref<2x128x64xf32, #tpu.memory_space<vmem>>, vector<1x1x16xf32>,
        %get3A_372 = arith.constant 2 : i32
        %get3A_373 = arith.index_cast %get3A_372 : i32 to index
        %get3A_374 = arith.index_cast %add3A_357 : i32 to index
        %get3A_375 = arith.constant 16 : index
        %get3A_376 = tpu.vector_load %arg6[%get3A_373, %get3A_374, %get3A_375] {strides = array<i32>} : memref<4x128x128xf32, #tpu.memory_space<vmem>>, vector<1x1x16xf32>,
        %get3A_377 = vector.shape_cast %get3A_376 : vector<1x1x16xf32> to vector<16xf32>
        %mul3A_378 = arith.constant 8.000000e+00 : f32
        %mul3A_379 = vector.broadcast %mul3A_378 : f32 to vector<16xf32>
        %mul3A_380 = arith.mulf %get3A_377, %mul3A_379 : vector<16xf32>
        %swap3A_381 = arith.constant 0 : i32
        %swap3A_382 = arith.index_cast %swap3A_381 : i32 to index
        %swap3A_383 = arith.index_cast %add3A_357 : i32 to index
        %swap3A_384 = arith.constant 16 : index
        %swap3A_385 = tpu.vector_load %arg7[%swap3A_382, %swap3A_383, %swap3A_384] {strides = array<i32>} : memref<2x128x64xf32, #tpu.memory_space<vmem>>, vector<1x1x16xf32>,
        %swap3A_386 = vector.shape_cast %swap3A_385 : vector<1x1x16xf32> to vector<16xf32>
        %swap3A_387 = vector.shape_cast %mul3A_380 : vector<16xf32> to vector<1x1x16xf32>
        tpu.vector_store %arg7[%swap3A_382, %swap3A_383, %swap3A_384], %swap3A_387 {strides = array<i32>} : memref<2x128x64xf32, #tpu.memory_space<vmem>>, vector<1x1x16xf32>,
        %get3A_388 = arith.constant 2 : i32
        %get3A_389 = arith.index_cast %get3A_388 : i32 to index
        %get3A_390 = arith.index_cast %add3A_357 : i32 to index
        %get3A_391 = arith.constant 32 : index
        %get3A_392 = tpu.vector_load %arg6[%get3A_389, %get3A_390, %get3A_391] {strides = array<i32>} : memref<4x128x128xf32, #tpu.memory_space<vmem>>, vector<1x1x16xf32>,
        %get3A_393 = vector.shape_cast %get3A_392 : vector<1x1x16xf32> to vector<16xf32>
        %mul3A_394 = arith.constant 8.000000e+00 : f32
        %mul3A_395 = vector.broadcast %mul3A_394 : f32 to vector<16xf32>
        %mul3A_396 = arith.mulf %get3A_393, %mul3A_395 : vector<16xf32>
        %swap3A_397 = arith.constant 0 : i32
        %swap3A_398 = arith.index_cast %swap3A_397 : i32 to index
        %swap3A_399 = arith.index_cast %add3A_357 : i32 to index
        %swap3A_400 = arith.constant 32 : index
        %swap3A_401 = tpu.vector_load %arg7[%swap3A_398, %swap3A_399, %swap3A_400] {strides = array<i32>} : memref<2x128x64xf32, #tpu.memory_space<vmem>>, vector<1x1x16xf32>,
        %swap3A_402 = vector.shape_cast %swap3A_401 : vector<1x1x16xf32> to vector<16xf32>
        %swap3A_403 = vector.shape_cast %mul3A_396 : vector<16xf32> to vector<1x1x16xf32>
        tpu.vector_store %arg7[%swap3A_398, %swap3A_399, %swap3A_400], %swap3A_403 {strides = array<i32>} : memref<2x128x64xf32, #tpu.memory_space<vmem>>, vector<1x1x16xf32>,
        %get3A_404 = arith.constant 2 : i32
        %get3A_405 = arith.index_cast %get3A_404 : i32 to index
        %get3A_406 = arith.index_cast %add3A_357 : i32 to index
        %get3A_407 = arith.constant 48 : index
        %get3A_408 = tpu.vector_load %arg6[%get3A_405, %get3A_406, %get3A_407] {strides = array<i32>} : memref<4x128x128xf32, #tpu.memory_space<vmem>>, vector<1x1x16xf32>,
        %get3A_409 = vector.shape_cast %get3A_408 : vector<1x1x16xf32> to vector<16xf32>
        %mul3A_410 = arith.constant 8.000000e+00 : f32
        %mul3A_411 = vector.broadcast %mul3A_410 : f32 to vector<16xf32>
        %mul3A_412 = arith.mulf %get3A_409, %mul3A_411 : vector<16xf32>
        %swap3A_413 = arith.constant 0 : i32
        %swap3A_414 = arith.index_cast %swap3A_413 : i32 to index
        %swap3A_415 = arith.index_cast %add3A_357 : i32 to index
        %swap3A_416 = arith.constant 48 : index
        %swap3A_417 = tpu.vector_load %arg7[%swap3A_414, %swap3A_415, %swap3A_416] {strides = array<i32>} : memref<2x128x64xf32, #tpu.memory_space<vmem>>, vector<1x1x16xf32>,
        %swap3A_418 = vector.shape_cast %swap3A_417 : vector<1x1x16xf32> to vector<16xf32>
        %swap3A_419 = vector.shape_cast %mul3A_412 : vector<16xf32> to vector<1x1x16xf32>
        tpu.vector_store %arg7[%swap3A_414, %swap3A_415, %swap3A_416], %swap3A_419 {strides = array<i32>} : memref<2x128x64xf32, #tpu.memory_space<vmem>>, vector<1x1x16xf32>,
      }
      %scan3A_258 = arith.constant 128 : i32
      %add3A_259 = arith.addi %mul3A_2, %add3A_218 : i32
      %mul3A_260 = arith.constant 128 : i32
      %mul3A_261 = arith.muli %add3A_259, %mul3A_260 : i32
      %dma_start3A_262 = arith.constant 0 : i32
      %dma_start3A_263 = arith.constant 0 : i32
      %dma_start3A_264 = arith.constant 0 : i32
      %dma_start3A_265 = arith.constant 0 : i32
      %dma_start3A_266 = tpu.memref_slice %arg7[%dma_start3A_262, %dma_start3A_264, %dma_start3A_265] : memref<2x128x64xf32, #tpu.memory_space<vmem>> -> memref<1x128x64xf32, #tpu.memory_space<vmem>>
      %dma_start3A_267 = tpu.memref_squeeze %dma_start3A_266 : memref<1x128x64xf32, #tpu.memory_space<vmem>> -> memref<128x64xf32, #tpu.memory_space<vmem>>
      %dma_start3A_268 = arith.constant 0 : i32
      %dma_start3A_269 = tpu.memref_slice %arg4[%mul3A_261, %dma_start3A_268] : memref<819200x64xf32, #tpu.memory_space<hbm>> -> memref<128x64xf32, #tpu.memory_space<hbm>>
      %dma_start3A_270 = tpu.memref_slice %arg9[%dma_start3A_263] : memref<2x!tpu.dma_semaphore, #tpu.memory_space<semaphore_mem>> -> memref<1x!tpu.dma_semaphore, #tpu.memory_space<semaphore_mem>>
      %dma_start3A_271 = tpu.memref_squeeze %dma_start3A_270 : memref<1x!tpu.dma_semaphore, #tpu.memory_space<semaphore_mem>> -> memref<!tpu.dma_semaphore, #tpu.memory_space<semaphore_mem>>
      %dma_start3A_272 = arith.constant 0 : i32
      %dma_start3A_273 = tpu.memref_slice %arg4[%mul3A_261, %dma_start3A_272] : memref<819200x64xf32, #tpu.memory_space<hbm>> -> memref<128x64xf32, #tpu.memory_space<hbm>>
      %dma_start3A_274 = arith.constant 0 : i32
      %dma_start3A_275 = arith.constant 0 : i32
      %dma_start3A_276 = tpu.memref_slice %arg7[%dma_start3A_262, %dma_start3A_274, %dma_start3A_275] : memref<2x128x64xf32, #tpu.memory_space<vmem>> -> memref<1x128x64xf32, #tpu.memory_space<vmem>>
      %dma_start3A_277 = tpu.memref_squeeze %dma_start3A_276 : memref<1x128x64xf32, #tpu.memory_space<vmem>> -> memref<128x64xf32, #tpu.memory_space<vmem>>
      tpu.enqueue_dma source(%dma_start3A_277 : memref<128x64xf32, #tpu.memory_space<vmem>>) target(%dma_start3A_273 : memref<128x64xf32, #tpu.memory_space<hbm>>) target_semaphore(%dma_start3A_271 : memref<!tpu.dma_semaphore, #tpu.memory_space<semaphore_mem>>)
      %add3A_278 = arith.constant 4 : i32
      %add3A_279 = arith.addi %add3A_218, %add3A_278 : i32
      %lt3A_280 = arith.constant 200 : i32
      %lt3A_281 = arith.cmpi slt, %add3A_279, %lt3A_280 : i32
      %convert_element_type3A_282 = arith.extui %lt3A_281 : i1 to i32
      %cond3A_283 = arith.constant 0 : i32
      %cond3A_284 = arith.cmpi ne, %convert_element_type3A_282, %cond3A_283 : i32
      scf.if %cond3A_284 {
        %add3A_353 = arith.constant 4 : i32
        %add3A_354 = arith.addi %add3A_218, %add3A_353 : i32
        %dma_start3A_355 = arith.constant 2 : i32
        %dma_start3A_356 = arith.constant 2 : i32
        %dma_start3A_357 = arith.constant 0 : i32
        %dma_start3A_358 = arith.constant 0 : i32
        %dma_start3A_359 = tpu.memref_slice %arg6[%dma_start3A_355, %dma_start3A_357, %dma_start3A_358] : memref<4x128x128xf32, #tpu.memory_space<vmem>> -> memref<1x128x128xf32, #tpu.memory_space<vmem>>
        %dma_start3A_360 = tpu.memref_squeeze %dma_start3A_359 : memref<1x128x128xf32, #tpu.memory_space<vmem>> -> memref<128x128xf32, #tpu.memory_space<vmem>>
        %dma_start3A_361 = arith.constant 0 : i32
        %dma_start3A_362 = tpu.memref_slice %arg5[%add3A_354, %dma_start3A_361] : memref<200x128xi32, #tpu.memory_space<vmem>> -> memref<1x128xi32, #tpu.memory_space<vmem>>
        %dma_start3A_363 = tpu.memref_squeeze %dma_start3A_362 : memref<1x128xi32, #tpu.memory_space<vmem>> -> memref<128xi32, #tpu.memory_space<vmem>>
        %dma_start3A_364 = arith.constant 0 : i32
        %dma_start3A_365 = arith.constant 0 : i32
        %dma_start3A_366 = tpu.memref_slice %arg2[%dma_start3A_364, %dma_start3A_365] : memref<1000000x128xf32, #tpu.memory_space<hbm>> -> memref<1000000x128xf32, #tpu.memory_space<hbm>>
        %dma_start3A_367 = tpu.memref_slice %arg8[%dma_start3A_356] : memref<4x!tpu.dma_semaphore, #tpu.memory_space<semaphore_mem>> -> memref<1x!tpu.dma_semaphore, #tpu.memory_space<semaphore_mem>>
        %dma_start3A_368 = tpu.memref_squeeze %dma_start3A_367 : memref<1x!tpu.dma_semaphore, #tpu.memory_space<semaphore_mem>> -> memref<!tpu.dma_semaphore, #tpu.memory_space<semaphore_mem>>
        tpu.enqueue_indirect_dma source(%dma_start3A_366 : memref<1000000x128xf32, #tpu.memory_space<hbm>>) target(%dma_start3A_360 : memref<128x128xf32, #tpu.memory_space<vmem>>) offsets(%dma_start3A_363 : memref<128xi32, #tpu.memory_space<vmem>>) semaphore(%dma_start3A_368 : memref<!tpu.dma_semaphore, #tpu.memory_space<semaphore_mem>>)
      } else {
      }
      %add3A_285 = arith.constant 3 : i32
      %add3A_286 = arith.addi %add3A_116, %add3A_285 : i32
      %dma_wait3A_287 = arith.constant 3 : i32
      %dma_wait3A_288 = arith.constant 3 : i32
      %dma_wait3A_289 = arith.constant 0 : i32
      %dma_wait3A_290 = arith.constant 0 : i32
      %dma_wait3A_291 = tpu.memref_slice %arg6[%dma_wait3A_287, %dma_wait3A_289, %dma_wait3A_290] : memref<4x128x128xf32, #tpu.memory_space<vmem>> -> memref<1x128x128xf32, #tpu.memory_space<vmem>>
      %dma_wait3A_292 = tpu.memref_squeeze %dma_wait3A_291 : memref<1x128x128xf32, #tpu.memory_space<vmem>> -> memref<128x128xf32, #tpu.memory_space<vmem>>
      %dma_wait3A_293 = arith.constant 0 : i32
      %dma_wait3A_294 = tpu.memref_slice %arg5[%add3A_286, %dma_wait3A_293] : memref<200x128xi32, #tpu.memory_space<vmem>> -> memref<1x128xi32, #tpu.memory_space<vmem>>
      %dma_wait3A_295 = tpu.memref_squeeze %dma_wait3A_294 : memref<1x128xi32, #tpu.memory_space<vmem>> -> memref<128xi32, #tpu.memory_space<vmem>>
      %dma_wait3A_296 = arith.constant 0 : i32
      %dma_wait3A_297 = arith.constant 0 : i32
      %dma_wait3A_298 = tpu.memref_slice %arg2[%dma_wait3A_296, %dma_wait3A_297] : memref<1000000x128xf32, #tpu.memory_space<hbm>> -> memref<1000000x128xf32, #tpu.memory_space<hbm>>
      %dma_wait3A_299 = tpu.memref_slice %arg8[%dma_wait3A_288] : memref<4x!tpu.dma_semaphore, #tpu.memory_space<semaphore_mem>> -> memref<1x!tpu.dma_semaphore, #tpu.memory_space<semaphore_mem>>
      %dma_wait3A_300 = tpu.memref_squeeze %dma_wait3A_299 : memref<1x!tpu.dma_semaphore, #tpu.memory_space<semaphore_mem>> -> memref<!tpu.dma_semaphore, #tpu.memory_space<semaphore_mem>>
      tpu.wait_indirect_dma semaphore(%dma_wait3A_300 : memref<!tpu.dma_semaphore, #tpu.memory_space<semaphore_mem>>) src(%dma_wait3A_298 : memref<1000000x128xf32, #tpu.memory_space<hbm>>) dst(%dma_wait3A_292 : memref<128x128xf32, #tpu.memory_space<vmem>>)
      %add3A_301 = arith.addi %mul3A_2, %add3A_286 : i32
      %sub3A_302 = arith.constant 2 : i32
      %sub3A_303 = arith.subi %add3A_301, %sub3A_302 : i32
      %mul3A_304 = arith.constant 128 : i32
      %mul3A_305 = arith.muli %sub3A_303, %mul3A_304 : i32
      %dma_wait3A_306 = arith.constant 1 : i32
      %dma_wait3A_307 = arith.constant 1 : i32
      %dma_wait3A_308 = arith.constant 0 : i32
      %dma_wait3A_309 = arith.constant 0 : i32
      %dma_wait3A_310 = tpu.memref_slice %arg7[%dma_wait3A_306, %dma_wait3A_308, %dma_wait3A_309] : memref<2x128x64xf32, #tpu.memory_space<vmem>> -> memref<1x128x64xf32, #tpu.memory_space<vmem>>
      %dma_wait3A_311 = tpu.memref_squeeze %dma_wait3A_310 : memref<1x128x64xf32, #tpu.memory_space<vmem>> -> memref<128x64xf32, #tpu.memory_space<vmem>>
      %dma_wait3A_312 = arith.constant 0 : i32
      %dma_wait3A_313 = tpu.memref_slice %arg4[%mul3A_305, %dma_wait3A_312] : memref<819200x64xf32, #tpu.memory_space<hbm>> -> memref<128x64xf32, #tpu.memory_space<hbm>>
      %dma_wait3A_314 = tpu.memref_slice %arg9[%dma_wait3A_307] : memref<2x!tpu.dma_semaphore, #tpu.memory_space<semaphore_mem>> -> memref<1x!tpu.dma_semaphore, #tpu.memory_space<semaphore_mem>>
      %dma_wait3A_315 = tpu.memref_squeeze %dma_wait3A_314 : memref<1x!tpu.dma_semaphore, #tpu.memory_space<semaphore_mem>> -> memref<!tpu.dma_semaphore, #tpu.memory_space<semaphore_mem>>
      %dma_wait3A_316 = arith.constant 0 : i32
      %dma_wait3A_317 = tpu.memref_slice %arg4[%mul3A_305, %dma_wait3A_316] : memref<819200x64xf32, #tpu.memory_space<hbm>> -> memref<128x64xf32, #tpu.memory_space<hbm>>
      %dma_wait3A_318 = arith.constant 0 : i32
      %dma_wait3A_319 = arith.constant 0 : i32
      %dma_wait3A_320 = tpu.memref_slice %arg7[%dma_wait3A_306, %dma_wait3A_318, %dma_wait3A_319] : memref<2x128x64xf32, #tpu.memory_space<vmem>> -> memref<1x128x64xf32, #tpu.memory_space<vmem>>
      %dma_wait3A_321 = tpu.memref_squeeze %dma_wait3A_320 : memref<1x128x64xf32, #tpu.memory_space<vmem>> -> memref<128x64xf32, #tpu.memory_space<vmem>>
      tpu.wait_dma2 semaphore(%dma_wait3A_315 : memref<!tpu.dma_semaphore, #tpu.memory_space<semaphore_mem>>) src(%dma_wait3A_321 : memref<128x64xf32, #tpu.memory_space<vmem>>) dst(%dma_wait3A_317 : memref<128x64xf32, #tpu.memory_space<hbm>>)
      %scan3A_322 = arith.constant 0 : i32
      %scan3A_323 = arith.constant 128 : i32
      %scan3A_324 = arith.addi %scan3A_322, %scan3A_323 : i32
      %scan3A_325 = arith.constant 1 : i32
      scf.for %scan3A_353 = %scan3A_322 to %scan3A_324 step %scan3A_325  : i32 {
        %mul3A_354 = arith.constant 1 : i32
        %mul3A_355 = arith.muli %scan3A_353, %mul3A_354 : i32
        %add3A_356 = arith.constant 0 : i32
        %add3A_357 = arith.addi %add3A_356, %mul3A_355 : i32
        %get3A = arith.constant 3 : i32
        %get3A_358 = arith.index_cast %get3A : i32 to index
        %get3A_359 = arith.index_cast %add3A_357 : i32 to index
        %get3A_360 = arith.constant 0 : index
        %get3A_361 = tpu.vector_load %arg6[%get3A_358, %get3A_359, %get3A_360] {strides = array<i32>} : memref<4x128x128xf32, #tpu.memory_space<vmem>>, vector<1x1x16xf32>,
        %get3A_362 = vector.shape_cast %get3A_361 : vector<1x1x16xf32> to vector<16xf32>
        %mul3A_363 = arith.constant 8.000000e+00 : f32
        %mul3A_364 = vector.broadcast %mul3A_363 : f32 to vector<16xf32>
        %mul3A_365 = arith.mulf %get3A_362, %mul3A_364 : vector<16xf32>
        %swap3A = arith.constant 1 : i32
        %swap3A_366 = arith.index_cast %swap3A : i32 to index
        %swap3A_367 = arith.index_cast %add3A_357 : i32 to index
        %swap3A_368 = arith.constant 0 : index
        %swap3A_369 = tpu.vector_load %arg7[%swap3A_366, %swap3A_367, %swap3A_368] {strides = array<i32>} : memref<2x128x64xf32, #tpu.memory_space<vmem>>, vector<1x1x16xf32>,
        %swap3A_370 = vector.shape_cast %swap3A_369 : vector<1x1x16xf32> to vector<16xf32>
        %swap3A_371 = vector.shape_cast %mul3A_365 : vector<16xf32> to vector<1x1x16xf32>
        tpu.vector_store %arg7[%swap3A_366, %swap3A_367, %swap3A_368], %swap3A_371 {strides = array<i32>} : memref<2x128x64xf32, #tpu.memory_space<vmem>>, vector<1x1x16xf32>,
        %get3A_372 = arith.constant 3 : i32
        %get3A_373 = arith.index_cast %get3A_372 : i32 to index
        %get3A_374 = arith.index_cast %add3A_357 : i32 to index
        %get3A_375 = arith.constant 16 : index
        %get3A_376 = tpu.vector_load %arg6[%get3A_373, %get3A_374, %get3A_375] {strides = array<i32>} : memref<4x128x128xf32, #tpu.memory_space<vmem>>, vector<1x1x16xf32>,
        %get3A_377 = vector.shape_cast %get3A_376 : vector<1x1x16xf32> to vector<16xf32>
        %mul3A_378 = arith.constant 8.000000e+00 : f32
        %mul3A_379 = vector.broadcast %mul3A_378 : f32 to vector<16xf32>
        %mul3A_380 = arith.mulf %get3A_377, %mul3A_379 : vector<16xf32>
        %swap3A_381 = arith.constant 1 : i32
        %swap3A_382 = arith.index_cast %swap3A_381 : i32 to index
        %swap3A_383 = arith.index_cast %add3A_357 : i32 to index
        %swap3A_384 = arith.constant 16 : index
        %swap3A_385 = tpu.vector_load %arg7[%swap3A_382, %swap3A_383, %swap3A_384] {strides = array<i32>} : memref<2x128x64xf32, #tpu.memory_space<vmem>>, vector<1x1x16xf32>,
        %swap3A_386 = vector.shape_cast %swap3A_385 : vector<1x1x16xf32> to vector<16xf32>
        %swap3A_387 = vector.shape_cast %mul3A_380 : vector<16xf32> to vector<1x1x16xf32>
        tpu.vector_store %arg7[%swap3A_382, %swap3A_383, %swap3A_384], %swap3A_387 {strides = array<i32>} : memref<2x128x64xf32, #tpu.memory_space<vmem>>, vector<1x1x16xf32>,
        %get3A_388 = arith.constant 3 : i32
        %get3A_389 = arith.index_cast %get3A_388 : i32 to index
        %get3A_390 = arith.index_cast %add3A_357 : i32 to index
        %get3A_391 = arith.constant 32 : index
        %get3A_392 = tpu.vector_load %arg6[%get3A_389, %get3A_390, %get3A_391] {strides = array<i32>} : memref<4x128x128xf32, #tpu.memory_space<vmem>>, vector<1x1x16xf32>,
        %get3A_393 = vector.shape_cast %get3A_392 : vector<1x1x16xf32> to vector<16xf32>
        %mul3A_394 = arith.constant 8.000000e+00 : f32
        %mul3A_395 = vector.broadcast %mul3A_394 : f32 to vector<16xf32>
        %mul3A_396 = arith.mulf %get3A_393, %mul3A_395 : vector<16xf32>
        %swap3A_397 = arith.constant 1 : i32
        %swap3A_398 = arith.index_cast %swap3A_397 : i32 to index
        %swap3A_399 = arith.index_cast %add3A_357 : i32 to index
        %swap3A_400 = arith.constant 32 : index
        %swap3A_401 = tpu.vector_load %arg7[%swap3A_398, %swap3A_399, %swap3A_400] {strides = array<i32>} : memref<2x128x64xf32, #tpu.memory_space<vmem>>, vector<1x1x16xf32>,
        %swap3A_402 = vector.shape_cast %swap3A_401 : vector<1x1x16xf32> to vector<16xf32>
        %swap3A_403 = vector.shape_cast %mul3A_396 : vector<16xf32> to vector<1x1x16xf32>
        tpu.vector_store %arg7[%swap3A_398, %swap3A_399, %swap3A_400], %swap3A_403 {strides = array<i32>} : memref<2x128x64xf32, #tpu.memory_space<vmem>>, vector<1x1x16xf32>,
        %get3A_404 = arith.constant 3 : i32
        %get3A_405 = arith.index_cast %get3A_404 : i32 to index
        %get3A_406 = arith.index_cast %add3A_357 : i32 to index
        %get3A_407 = arith.constant 48 : index
        %get3A_408 = tpu.vector_load %arg6[%get3A_405, %get3A_406, %get3A_407] {strides = array<i32>} : memref<4x128x128xf32, #tpu.memory_space<vmem>>, vector<1x1x16xf32>,
        %get3A_409 = vector.shape_cast %get3A_408 : vector<1x1x16xf32> to vector<16xf32>
        %mul3A_410 = arith.constant 8.000000e+00 : f32
        %mul3A_411 = vector.broadcast %mul3A_410 : f32 to vector<16xf32>
        %mul3A_412 = arith.mulf %get3A_409, %mul3A_411 : vector<16xf32>
        %swap3A_413 = arith.constant 1 : i32
        %swap3A_414 = arith.index_cast %swap3A_413 : i32 to index
        %swap3A_415 = arith.index_cast %add3A_357 : i32 to index
        %swap3A_416 = arith.constant 48 : index
        %swap3A_417 = tpu.vector_load %arg7[%swap3A_414, %swap3A_415, %swap3A_416] {strides = array<i32>} : memref<2x128x64xf32, #tpu.memory_space<vmem>>, vector<1x1x16xf32>,
        %swap3A_418 = vector.shape_cast %swap3A_417 : vector<1x1x16xf32> to vector<16xf32>
        %swap3A_419 = vector.shape_cast %mul3A_412 : vector<16xf32> to vector<1x1x16xf32>
        tpu.vector_store %arg7[%swap3A_414, %swap3A_415, %swap3A_416], %swap3A_419 {strides = array<i32>} : memref<2x128x64xf32, #tpu.memory_space<vmem>>, vector<1x1x16xf32>,
      }
      %scan3A_326 = arith.constant 128 : i32
      %add3A_327 = arith.addi %mul3A_2, %add3A_286 : i32
      %mul3A_328 = arith.constant 128 : i32
      %mul3A_329 = arith.muli %add3A_327, %mul3A_328 : i32
      %dma_start3A_330 = arith.constant 1 : i32
      %dma_start3A_331 = arith.constant 1 : i32
      %dma_start3A_332 = arith.constant 0 : i32
      %dma_start3A_333 = arith.constant 0 : i32
      %dma_start3A_334 = tpu.memref_slice %arg7[%dma_start3A_330, %dma_start3A_332, %dma_start3A_333] : memref<2x128x64xf32, #tpu.memory_space<vmem>> -> memref<1x128x64xf32, #tpu.memory_space<vmem>>
      %dma_start3A_335 = tpu.memref_squeeze %dma_start3A_334 : memref<1x128x64xf32, #tpu.memory_space<vmem>> -> memref<128x64xf32, #tpu.memory_space<vmem>>
      %dma_start3A_336 = arith.constant 0 : i32
      %dma_start3A_337 = tpu.memref_slice %arg4[%mul3A_329, %dma_start3A_336] : memref<819200x64xf32, #tpu.memory_space<hbm>> -> memref<128x64xf32, #tpu.memory_space<hbm>>
      %dma_start3A_338 = tpu.memref_slice %arg9[%dma_start3A_331] : memref<2x!tpu.dma_semaphore, #tpu.memory_space<semaphore_mem>> -> memref<1x!tpu.dma_semaphore, #tpu.memory_space<semaphore_mem>>
      %dma_start3A_339 = tpu.memref_squeeze %dma_start3A_338 : memref<1x!tpu.dma_semaphore, #tpu.memory_space<semaphore_mem>> -> memref<!tpu.dma_semaphore, #tpu.memory_space<semaphore_mem>>
      %dma_start3A_340 = arith.constant 0 : i32
      %dma_start3A_341 = tpu.memref_slice %arg4[%mul3A_329, %dma_start3A_340] : memref<819200x64xf32, #tpu.memory_space<hbm>> -> memref<128x64xf32, #tpu.memory_space<hbm>>
      %dma_start3A_342 = arith.constant 0 : i32
      %dma_start3A_343 = arith.constant 0 : i32
      %dma_start3A_344 = tpu.memref_slice %arg7[%dma_start3A_330, %dma_start3A_342, %dma_start3A_343] : memref<2x128x64xf32, #tpu.memory_space<vmem>> -> memref<1x128x64xf32, #tpu.memory_space<vmem>>
      %dma_start3A_345 = tpu.memref_squeeze %dma_start3A_344 : memref<1x128x64xf32, #tpu.memory_space<vmem>> -> memref<128x64xf32, #tpu.memory_space<vmem>>
      tpu.enqueue_dma source(%dma_start3A_345 : memref<128x64xf32, #tpu.memory_space<vmem>>) target(%dma_start3A_341 : memref<128x64xf32, #tpu.memory_space<hbm>>) target_semaphore(%dma_start3A_339 : memref<!tpu.dma_semaphore, #tpu.memory_space<semaphore_mem>>)
      %add3A_346 = arith.constant 4 : i32
      %add3A_347 = arith.addi %add3A_286, %add3A_346 : i32
      %lt3A_348 = arith.constant 200 : i32
      %lt3A_349 = arith.cmpi slt, %add3A_347, %lt3A_348 : i32
      %convert_element_type3A_350 = arith.extui %lt3A_349 : i1 to i32
      %cond3A_351 = arith.constant 0 : i32
      %cond3A_352 = arith.cmpi ne, %convert_element_type3A_350, %cond3A_351 : i32
      scf.if %cond3A_352 {
        %add3A_353 = arith.constant 4 : i32
        %add3A_354 = arith.addi %add3A_286, %add3A_353 : i32
        %dma_start3A_355 = arith.constant 3 : i32
        %dma_start3A_356 = arith.constant 3 : i32
        %dma_start3A_357 = arith.constant 0 : i32
        %dma_start3A_358 = arith.constant 0 : i32
        %dma_start3A_359 = tpu.memref_slice %arg6[%dma_start3A_355, %dma_start3A_357, %dma_start3A_358] : memref<4x128x128xf32, #tpu.memory_space<vmem>> -> memref<1x128x128xf32, #tpu.memory_space<vmem>>
        %dma_start3A_360 = tpu.memref_squeeze %dma_start3A_359 : memref<1x128x128xf32, #tpu.memory_space<vmem>> -> memref<128x128xf32, #tpu.memory_space<vmem>>
        %dma_start3A_361 = arith.constant 0 : i32
        %dma_start3A_362 = tpu.memref_slice %arg5[%add3A_354, %dma_start3A_361] : memref<200x128xi32, #tpu.memory_space<vmem>> -> memref<1x128xi32, #tpu.memory_space<vmem>>
        %dma_start3A_363 = tpu.memref_squeeze %dma_start3A_362 : memref<1x128xi32, #tpu.memory_space<vmem>> -> memref<128xi32, #tpu.memory_space<vmem>>
        %dma_start3A_364 = arith.constant 0 : i32
        %dma_start3A_365 = arith.constant 0 : i32
        %dma_start3A_366 = tpu.memref_slice %arg2[%dma_start3A_364, %dma_start3A_365] : memref<1000000x128xf32, #tpu.memory_space<hbm>> -> memref<1000000x128xf32, #tpu.memory_space<hbm>>
        %dma_start3A_367 = tpu.memref_slice %arg8[%dma_start3A_356] : memref<4x!tpu.dma_semaphore, #tpu.memory_space<semaphore_mem>> -> memref<1x!tpu.dma_semaphore, #tpu.memory_space<semaphore_mem>>
        %dma_start3A_368 = tpu.memref_squeeze %dma_start3A_367 : memref<1x!tpu.dma_semaphore, #tpu.memory_space<semaphore_mem>> -> memref<!tpu.dma_semaphore, #tpu.memory_space<semaphore_mem>>
        tpu.enqueue_indirect_dma source(%dma_start3A_366 : memref<1000000x128xf32, #tpu.memory_space<hbm>>) target(%dma_start3A_360 : memref<128x128xf32, #tpu.memory_space<vmem>>) offsets(%dma_start3A_363 : memref<128xi32, #tpu.memory_space<vmem>>) semaphore(%dma_start3A_368 : memref<!tpu.dma_semaphore, #tpu.memory_space<semaphore_mem>>)
      } else {
      }
    }
    %scan3A_65 = arith.constant 50 : i32
    %add3A_66 = arith.constant 200 : i32
    %add3A_67 = arith.addi %mul3A_2, %add3A_66 : i32
    %sub3A = arith.constant 2 : i32
    %sub3A_68 = arith.subi %add3A_67, %sub3A : i32
    %add3A_69 = arith.constant 0 : i32
    %add3A_70 = arith.addi %sub3A_68, %add3A_69 : i32
    %mul3A_71 = arith.constant 128 : i32
    %mul3A_72 = arith.muli %add3A_70, %mul3A_71 : i32
    %dma_wait3A = arith.constant 0 : i32
    %dma_wait3A_73 = arith.constant 0 : i32
    %dma_wait3A_74 = arith.constant 0 : i32
    %dma_wait3A_75 = arith.constant 0 : i32
    %dma_wait3A_76 = tpu.memref_slice %arg7[%dma_wait3A, %dma_wait3A_74, %dma_wait3A_75] : memref<2x128x64xf32, #tpu.memory_space<vmem>> -> memref<1x128x64xf32, #tpu.memory_space<vmem>>
    %dma_wait3A_77 = tpu.memref_squeeze %dma_wait3A_76 : memref<1x128x64xf32, #tpu.memory_space<vmem>> -> memref<128x64xf32, #tpu.memory_space<vmem>>
    %dma_wait3A_78 = arith.constant 0 : i32
    %dma_wait3A_79 = tpu.memref_slice %arg4[%mul3A_72, %dma_wait3A_78] : memref<819200x64xf32, #tpu.memory_space<hbm>> -> memref<128x64xf32, #tpu.memory_space<hbm>>
    %dma_wait3A_80 = tpu.memref_slice %arg9[%dma_wait3A_73] : memref<2x!tpu.dma_semaphore, #tpu.memory_space<semaphore_mem>> -> memref<1x!tpu.dma_semaphore, #tpu.memory_space<semaphore_mem>>
    %dma_wait3A_81 = tpu.memref_squeeze %dma_wait3A_80 : memref<1x!tpu.dma_semaphore, #tpu.memory_space<semaphore_mem>> -> memref<!tpu.dma_semaphore, #tpu.memory_space<semaphore_mem>>
    %dma_wait3A_82 = arith.constant 0 : i32
    %dma_wait3A_83 = tpu.memref_slice %arg4[%mul3A_72, %dma_wait3A_82] : memref<819200x64xf32, #tpu.memory_space<hbm>> -> memref<128x64xf32, #tpu.memory_space<hbm>>
    %dma_wait3A_84 = arith.constant 0 : i32
    %dma_wait3A_85 = arith.constant 0 : i32
    %dma_wait3A_86 = tpu.memref_slice %arg7[%dma_wait3A, %dma_wait3A_84, %dma_wait3A_85] : memref<2x128x64xf32, #tpu.memory_space<vmem>> -> memref<1x128x64xf32, #tpu.memory_space<vmem>>
    %dma_wait3A_87 = tpu.memref_squeeze %dma_wait3A_86 : memref<1x128x64xf32, #tpu.memory_space<vmem>> -> memref<128x64xf32, #tpu.memory_space<vmem>>
    tpu.wait_dma2 semaphore(%dma_wait3A_81 : memref<!tpu.dma_semaphore, #tpu.memory_space<semaphore_mem>>) src(%dma_wait3A_87 : memref<128x64xf32, #tpu.memory_space<vmem>>) dst(%dma_wait3A_83 : memref<128x64xf32, #tpu.memory_space<hbm>>)
    %add3A_88 = arith.constant 200 : i32
    %add3A_89 = arith.addi %mul3A_2, %add3A_88 : i32
    %sub3A_90 = arith.constant 2 : i32
    %sub3A_91 = arith.subi %add3A_89, %sub3A_90 : i32
    %add3A_92 = arith.constant 1 : i32
    %add3A_93 = arith.addi %sub3A_91, %add3A_92 : i32
    %mul3A_94 = arith.constant 128 : i32
    %mul3A_95 = arith.muli %add3A_93, %mul3A_94 : i32
    %dma_wait3A_96 = arith.constant 1 : i32
    %dma_wait3A_97 = arith.constant 1 : i32
    %dma_wait3A_98 = arith.constant 0 : i32
    %dma_wait3A_99 = arith.constant 0 : i32
    %dma_wait3A_100 = tpu.memref_slice %arg7[%dma_wait3A_96, %dma_wait3A_98, %dma_wait3A_99] : memref<2x128x64xf32, #tpu.memory_space<vmem>> -> memref<1x128x64xf32, #tpu.memory_space<vmem>>
    %dma_wait3A_101 = tpu.memref_squeeze %dma_wait3A_100 : memref<1x128x64xf32, #tpu.memory_space<vmem>> -> memref<128x64xf32, #tpu.memory_space<vmem>>
    %dma_wait3A_102 = arith.constant 0 : i32
    %dma_wait3A_103 = tpu.memref_slice %arg4[%mul3A_95, %dma_wait3A_102] : memref<819200x64xf32, #tpu.memory_space<hbm>> -> memref<128x64xf32, #tpu.memory_space<hbm>>
    %dma_wait3A_104 = tpu.memref_slice %arg9[%dma_wait3A_97] : memref<2x!tpu.dma_semaphore, #tpu.memory_space<semaphore_mem>> -> memref<1x!tpu.dma_semaphore, #tpu.memory_space<semaphore_mem>>
    %dma_wait3A_105 = tpu.memref_squeeze %dma_wait3A_104 : memref<1x!tpu.dma_semaphore, #tpu.memory_space<semaphore_mem>> -> memref<!tpu.dma_semaphore, #tpu.memory_space<semaphore_mem>>
    %dma_wait3A_106 = arith.constant 0 : i32
    %dma_wait3A_107 = tpu.memref_slice %arg4[%mul3A_95, %dma_wait3A_106] : memref<819200x64xf32, #tpu.memory_space<hbm>> -> memref<128x64xf32, #tpu.memory_space<hbm>>
    %dma_wait3A_108 = arith.constant 0 : i32
    %dma_wait3A_109 = arith.constant 0 : i32
    %dma_wait3A_110 = tpu.memref_slice %arg7[%dma_wait3A_96, %dma_wait3A_108, %dma_wait3A_109] : memref<2x128x64xf32, #tpu.memory_space<vmem>> -> memref<1x128x64xf32, #tpu.memory_space<vmem>>
    %dma_wait3A_111 = tpu.memref_squeeze %dma_wait3A_110 : memref<1x128x64xf32, #tpu.memory_space<vmem>> -> memref<128x64xf32, #tpu.memory_space<vmem>>
    tpu.wait_dma2 semaphore(%dma_wait3A_105 : memref<!tpu.dma_semaphore, #tpu.memory_space<semaphore_mem>>) src(%dma_wait3A_111 : memref<128x64xf32, #tpu.memory_space<vmem>>) dst(%dma_wait3A_107 : memref<128x64xf32, #tpu.memory_space<hbm>>)
    return
  }
}

</mosaic_0001>

<sc_bundles>
// kernel: kernel.4.cloned.1.call-start
scs
__scs_entry_jumppad:
0x0: {  	(pc) =	sbr.rel $0x88, $3  }
0x1: {  	(tag) =	ssettag $0x0;
	lr =	simm.s32 $0x1  }
0x2: {  	[smem:$0x3F9F] =	sst lr;
	_ =	strace $0xD0000000  }
0x3: {  	_ = 	snop  }
0x4: {  	_ = 	snop  }
0x5: {  	_ = 	snop  }
0x6: {  	_ = 	snop  }
0x7: {  	_ = 	snop  }
__scs_overlays_trampoline_lowered:
0x8: {  	[smem:$0x3FAE] =	sst s0  }
0x9: {  	[smem:$0x3FAF] =	sst s1  }
0xa: {  	[smem:$0x3FB0] =	sst s2  }
0xb: {  	[smem:$0x3FB1] =	sst s3  }
0xc: {  	[smem:$0x3FB2] =	sst s4  }
0xd: {  	[smem:$0x3FB3] =	sst s5  }
0xe: {  	[smem:$0x3FB4] =	sst s6  }
0xf: {  	[smem:$0x3FB5] =	sst s7  }
0x10: {  	[smem:$0x3FB6] =	sst s8  }
0x11: {  	[smem:$0x3FB7] =	sst s9;
	s0 =	simm.s32 @!p0 $0x0  }
0x12: {  	s1 =	sld [smem:$0x3F9D];
	s0 =	simm.s32 @p0 $0x1  }
0x13: {  	[smem:$0x3FB8] =	sst s0;
	s0 =	simm.s32 @!p1 $0x0  }
0x14: {  	s2 =	sld [smem:$0x3F9C];
	s0 =	simm.s32 @p1 $0x1  }
0x15: {  	[smem:$0x3FB9] =	sst s0;
	s0 =	simm.s32 @!p2 $0x0  }
0x16: {  	s3 =	sld [smem:$0x3FDB];
	s0 =	simm.s32 @p2 $0x1  }
0x17: {  	s4 =	simm.s32 $0x1BF5;
	[smem:$0x3FBB] =	sst s0  }
0x18: {  	s0 =	sld [smem:$0x3F9E];
	_ =	swait.ge [sflag:s4], $0x0  }
0x19: {  	s7 =	sld [smem:$0x3F9F]  }
0x1a: {  	s8 =	sadd.s32 $0xFFFFE003, lr  }
0x1b: {  	s9 =	sadd.s32 $0xFFFFFEF7, lr;
	s5 =	simm.s32 $0xFFFFFFFF;
	p2 =	slt.u32 s8, $0xFFFFF086  }
0x1c: {  	p1 =	slt.u32 s9, $0xF7A;
	s5 =	simm.s32 @!p2 $0x0  }
0x1d: {  	s5 =	simm.s32 @p1 $0x1;
	p0 =	seq.s32 s7, s2  }
0x1e: {  	s7 =	smul.u32 @!p0 $0xF7A, s2;
	p2 =	seq.s32 @!p0 s5, $0x0  }
0x1f: {  	s9 =	smul.u32 $0xF7A, s1;
	s8 =	simm.s32 @!p0 $0x1BF5;
	p2 =	por !p2, p0  }
0x20: {  	[sflag:s8] =	ssyncset.s32 @!p0 $0xFFFFF086;
	s6 =	sadd.s32 @!p0 s3, s7;
	s7 =	simm.s32 @!p0 $0x108  }
0x21: {  	s3 =	sadd.s32 s3, s9;
	s6 =	sadd.s32 @!p0 $0x88, s6;
	s7 =	simm.s32 @p2 $0x1082  }
0x22: {  	[simem:s7], [sflag:s8] =	dma.local @!p0 [hbm:s6], $0xF7A  }
0x23: {  	s9 =	sor.u32 $0xD0000000, s2;
	s6 =	simm.s32 $0x108;
	_ =	swait.ge @!p0 [sflag:s8], $0x0  }
0x24: {  	s3 =	sadd.s32 $0x88, s3;
	s6 =	simm.s32 @!p1 $0x1082;
	[sflag:s4] =	ssyncset.s32 $0xFFFFF086  }
0x25: {  	[simem:s6], [sflag:s4] =	dma.local [hbm:s3], $0xF7A  }
0x26: {  	[smem:$0x3F9F] =	sst s1;
	(tag) =	ssettag s2;
	_ =	strace s9  }
0x27: {  	s1 =	sld [smem:$0x3FAF]  }
0x28: {  	s2 =	sld [smem:$0x3FB0]  }
0x29: {  	s4 =	sld [smem:$0x3FB2]  }
0x2a: {  	p0 =	seq.s32 s5, $0x0;
	s5 =	sld [smem:$0x3FB3]  }
0x2b: {  	s6 =	sld [smem:$0x3FB4]  }
0x2c: {  	s7 =	sld [smem:$0x3FB5]  }
0x2d: {  	s3 =	simm.s32 $0x108;
	s8 =	sld [smem:$0x3FB6]  }
0x2e: {  	s3 =	simm.s32 @!p0 $0x1082;
	s9 =	sld [smem:$0x3FB7]  }
0x2f: {  	lr =	sadd.s32 s0, s3;
	s0 =	sld [smem:$0x3FAE]  }
0x30: {  	s3 =	sld [smem:$0x3FB1]  }
0x31: {  	[smem:$0x3FBA] =	sst s10  }
0x32: {  	s10 =	sld [smem:$0x3FB8];
	_ =	sdelay $0x3  }
0x33: {  	p0 =	seq.s32 s10, $0x1;
	s10 =	sld [smem:$0x3FBA];
	_ =	sdelay $0x3  }
0x34: {  	[smem:$0x3FBA] =	sst s10  }
0x35: {  	s10 =	sld [smem:$0x3FB9];
	_ =	sdelay $0x3  }
0x36: {  	p1 =	seq.s32 s10, $0x1;
	s10 =	sld [smem:$0x3FBA];
	_ =	sdelay $0x3  }
0x37: {  	[smem:$0x3FBA] =	sst s10  }
0x38: {  	s10 =	sld [smem:$0x3FBB]  }
0x39: {  	_ = 	snop;
	(pc) =	sbr.ind lr, $3  }
0x3a: {  	_ = 	snop  }
0x3b: {  	_ = 	snop  }
0x3c: {  	p2 =	seq.s32 s10, $0x1;
	s10 =	sld [smem:$0x3FBA]  }
0x3d: {  	_ =	shalt  }
0x3e: {  	_ =	shalt  }
0x3f: {  	_ =	shalt  }
0x40: {  	_ =	shalt  }
0x41: {  	_ =	shalt  }
0x42: {  	_ =	shalt  }
0x43: {  	_ =	shalt  }
0x44: {  	_ =	shalt  }
0x45: {  	_ =	shalt  }
0x46: {  	_ =	shalt  }
0x47: {  	_ =	shalt  }
0x48: {  	_ =	shalt  }
0x49: {  	_ =	shalt  }
0x4a: {  	_ =	shalt  }
0x4b: {  	_ =	shalt  }
0x4c: {  	_ =	shalt  }
0x4d: {  	_ =	shalt  }
0x4e: {  	_ =	shalt  }
0x4f: {  	_ =	shalt  }
0x50: {  	_ =	shalt  }
0x51: {  	_ =	shalt  }
0x52: {  	_ =	shalt  }
0x53: {  	_ =	shalt  }
0x54: {  	_ =	shalt  }
0x55: {  	_ =	shalt  }
0x56: {  	_ =	shalt  }
0x57: {  	_ =	shalt  }
0x58: {  	_ =	shalt  }
0x59: {  	_ =	shalt  }
0x5a: {  	_ =	shalt  }
0x5b: {  	_ =	shalt  }
0x5c: {  	_ =	shalt  }
0x5d: {  	_ =	shalt  }
0x5e: {  	_ =	shalt  }
0x5f: {  	_ =	shalt  }
0x60: {  	_ =	shalt  }
0x61: {  	_ =	shalt  }
0x62: {  	_ =	shalt  }
0x63: {  	_ =	shalt  }
0x64: {  	_ =	shalt  }
0x65: {  	_ =	shalt  }
0x66: {  	_ =	shalt  }
0x67: {  	_ =	shalt  }
0x68: {  	_ =	shalt  }
0x69: {  	_ =	shalt  }
0x6a: {  	_ =	shalt  }
0x6b: {  	_ =	shalt  }
0x6c: {  	_ =	shalt  }
0x6d: {  	_ =	shalt  }
0x6e: {  	_ =	shalt  }
0x6f: {  	_ =	shalt  }
0x70: {  	_ =	shalt  }
0x71: {  	_ =	shalt  }
0x72: {  	_ =	shalt  }
0x73: {  	_ =	shalt  }
0x74: {  	_ =	shalt  }
0x75: {  	_ =	shalt  }
0x76: {  	_ =	shalt  }
0x77: {  	_ =	shalt  }
0x78: {  	_ =	shalt  }
0x79: {  	_ =	shalt  }
0x7a: {  	_ =	shalt  }
0x7b: {  	_ =	shalt  }
0x7c: {  	_ =	shalt  }
0x7d: {  	_ =	shalt  }
0x7e: {  	_ =	shalt  }
0x7f: {  	_ =	shalt  }
0x80: {  	_ =	shalt  }
0x81: {  	_ =	shalt  }
0x82: {  	_ =	shalt  }
0x83: {  	_ =	shalt  }
0x84: {  	_ =	shalt  }
0x85: {  	_ =	shalt  }
0x86: {  	_ =	shalt  }
0x87: {  	_ =	shalt  }
.Lfunc_end0:
.L_simem_size_0:
called_computation.1_lowered:
.L_overlay_start_0:
0x88: {  	s2 =	sld [smem:$0x3FD9]  }
0x89: {  	s3 =	sld [smem:$0x3FFE];
	_ =	sdelay $0x1  }
0x8a: {  	s1 =	srdreg.scid  }
0x8b: {  	s0 =	sand.u32 $0x1, s1  }
0x8c: {  	s16 =	sshll.u32 s0, $0xA;
	s2 =	sadd.s32 s3, s2  }
0x8d: {  	s2 =	sadd.s32 s2, s16  }
0x8e: {  	[smem:$0x3FC6] =	sst s2  }
0x8f: {  	_ = 	snop  }
0x90: {  	(tm) =	ssettm $0x1  }
0x91: {  	s17 =	sld [smem:$0x3FFB];
	_ =	sdelay $0x3  }
0x92: {  	_ =	strace s17  }
0x93: {  	s2 =	sld [smem:$0x3FFC];
	_ =	sdelay $0x3  }
0x94: {  	_ =	strace s2  }
0x95: {  	s2 =	sld [smem:$0x3FFD];
	_ =	sdelay $0x3  }
0x96: {  	_ =	strace s2  }
0x97: {  	_ =	strace $0x8FFFFFFF  }
0x98: {  	s18 =	sld [smem:$0x3FDB];
	_ =	sdelay $0x1  }
0x99: {  	s19 =	simm.s32 $_scs_section_size  }
0x9a: {  	s4 =	simm.s32 $_size__tile_overlayer_lowered;
	s5 =	simm.s32 $_tile_overlayer_lowered  }
0x9b: {  	s22 =	simm.s32 $0x1BFF;
	s21 =	sshll.u32 s5, $0x1;
	s2 =	sadd.s32 s19, s18  }
0x9c: {  	s6 =	simm.s32 $0x0;
	s20 =	sshll.u32 s4, $0x1;
	s4 =	sadd.s32 s21, s2  }
0x9d: {  	[timem:s6], [sflag:s22] =	dma.local [hbm:s4], s20  }
0x9e: {  	_ =	swait.ge [sflag:s22], s20  }
0x9f: {  	s3 =	ssub.s32 $0x0, s20;
	[sflag:s22] =	ssyncset.done $0x0  }
0xa0: {  	[sflag:s22] =	ssyncadd.s32 s3;
	_ =	sdelay $0x1  }
0xa1: {  	s23 =	simm.s32 $0x1B8B  }
0xa2: {  	_ =	swait.ge [sflag:s23], $0x1  }
0xa3: {  	[sflag:s23] =	ssyncset.done $0x0  }
0xa4: {  	s25 =	simm.s32 $0x1B8E;
	s24 =	sld [smem:$0x3FFE];
	[sflag:s23] =	ssyncadd.s32 $0xFFFFFFFF  }
0xa5: {  	s26 =	simm.s32 $execute0_lowered;
	[smem:$0x3FD2] =	sst s25  }
0xa6: {  	s4 =	sshll.u32 s26, $0x1;
	_ =	strace $0x80000046;
	[dreg:$0x1] =	wrdreg $0xFFFFFFFF  }
0xa7: {  	s28 =	simm.s32 $_size_execute0_lowered;
	s2 =	sadd.s32 s2, s4;
	[dreg:$0x0] =	wrdreg $0x0  }
0xa8: {  	s4 =	sshll.u32 s28, $0x1;
	[dreg:$0x2] =	wrdreg s2  }
0xa9: {  	[dreg:$0x3] =	wrdreg s4  }
0xaa: {  	[dreg:$0x4] =	wrdreg $0xC0  }
0xab: {  	_ =	task [dreg:s6], $0x5FFFF  }
0xac: {  	[dreg:$0x1] =	wrdreg $0xFFFFFFFF  }
0xad: {  	[dreg:$0x0] =	wrdreg $0x60  }
0xae: {  	[dreg:$0x2] =	wrdreg s24  }
0xaf: {  	[dreg:$0x3] =	wrdreg $0x9  }
0xb0: {  	_ =	task.clear_ibuf [dreg:s6], $0x4FFFF;
	_ =	strace $0x90000046  }
0xb1: {  	s29 =	simm.s32 $0x9;
	_ =	strace $0x80000048  }
0xb2: {  	_ =	swait.ge [sflag:s29], $0x1  }
0xb3: {  	[sflag:s29] =	ssyncadd.s32 $0xFFFFFFFF  }
0xb4: {  	_ =	strace $0x90000048  }
0xb5: {  	_ =	sfence  }
0xb6: {  	s30 =	sld [smem:$0x0];
	_ =	sdelay $0x2  }
0xb7: {  	s31 =	sshll.u32 s1, $0xD;
	s1 =	sshrl.u32 s1, $0x2  }
0xb8: {  	s3 =	sand.u32 $0x4000, s31;
	s1 =	sadd.s32 s1, s30  }
0xb9: {  	s0 =	sor.u32 s3, s0;
	s1 =	sshll.u32 s1, $0x11  }
0xba: {  	s0 =	sor.u32 s1, s0  }
0xbb: {  	s0 =	sadd.s32 $0x8F2B, s0  }
0xbc: {  	[sflag:s0] =	ssyncadd.remote.s32 $0x1  }
0xbd: {  	_ =	sfence.sel $0xFFFF  }
0xbe: {  	[dreg:$0x0] =	wrdreg $0xFFFFFFFF;
	(pc) =	sbr.abs _section_cstart, $3  }
0xbf: {  	[dreg:$0x1] =	wrdreg $0xFFFFFFFF  }
0xc0: {  	_ =	task.clear_ibuf [dreg:s6], $0x2FFFF;
	_ =	strace $0x9FFFFFFF  }
0xc1: {  	(tm) =	ssettm $0x7FFFFFFF  }
tec
execute0_lowered:
.L_overlay_start_1:
0x0: {  	(tag) =	ssettag $0x1  }
0x1: {  	s4 =	rddreg [dreg:$0x0]  }
0x2: {  	s0 =	rddreg [dreg:$0x1];
	s3 =	srdreg.scid  }
0x3: {  	s1 =	stileid.u32;
	s2 =	simm.s32 $0x0;
	s12 =	simm.s32 $0x5000  }
0x4: {  	s13 =	simm.s32 $0xA000;
	s14 =	simm.s32 $0x1;
	s15 =	simm.s32 $0xF000  }
0x5: {  	s16 =	simm.s32 $0x2;
	s17 =	simm.s32 $0x14000;
	s18 =	simm.s32 $0x3  }
0x6: {  	s19 =	simm.s32 $0x19000;
	s5 =	sand.u32 $0x1, s3;
	s30 =	sshll.u32 s1, $0x1  }
0x7: {  	s20 =	simm.s32 $0x4;
	s21 =	simm.s32 $0x5;
	s6 =	sor.u32 s5, s30  }
0x8: {  	s22 =	simm.s32 $0x6;
	s23 =	simm.s32 $0x0;
	s7 =	smul.u32 $0x3D4000, s6  }
0x9: {  	[smem:$0x7FF] =	sst s2;
	s5 =	ssub.s32 $0x2, s5;
	s9 =	smul.u32 $0x7A800, s6  }
.Ltmp0:
0xa: {  	s3 =	sadd.s32 $0xE00, s4;
	s8 =	sshrl.u32 s5, $0x1;
	(pc) =	sbr.rel .LBB2_1-.Ltmp0, $4  }
0xb: {  	s4 =	sadd.s32 $0xF43200, s4;
	s11 =	ssub.s32 s5, s8;
	s5 =	smul.u32 $0xC4, s6  }
0xc: {  	_ =	strace $0x80000047;
	s7 =	sshrl.u32 s7, $0x3;
	s6 =	sadd.s32 s3, s9  }
0xd: {  	s11 =	smax.u32 s11, $0x1;
	s31 =	sadd.s32 s3, s7;
	s9 =	sor.u32 $0x1, s5  }
0xe: {  	s10 =	sor.u32 $0x2, s5;
	s7 =	sadd.s32 $0xA00, s31;
	s8 =	sadd.s32 $0x1400, s31  }
.LBB2_15:
0xf: {  	_ =	swait.ge [sflag:s20], $0x5000  }
0x10: {  	[sflag:s20] =	ssyncset.done $0x0  }
0x11: {  	s23 =	sadd.s32 $0x1, s23;
	[sflag:s20] =	ssyncadd.s32 $0xFFFFB000  }
0x12: {  	p0 =	sne.s32 s23, s11;
	_ =	swait.ge [sflag:s21], $0x5000  }
.Ltmp1:
0x13: {  	[sflag:s21] =	ssyncset.done $0x0;
	(pc) =	sbr.rel @!p0 .LBB2_16-.Ltmp1, $4  }
0x14: {  	[sflag:s21] =	ssyncadd.s32 $0xFFFFB000  }
0x15: {  	_ =	swait.ge [sflag:s22], $0x5000  }
0x16: {  	[sflag:s22] =	ssyncset.done $0x0  }
0x17: {  	[sflag:s22] =	ssyncadd.s32 $0xFFFFB000  }
.LBB2_1:
0x18: {  	[tilespmem:s2], [sflag:$0x1] =	stream.linear.gather [hbm4b:s6+s2], $0x5000, $0x38;
	[tilespmem:$0x1E000] =	vst v63  }
.Ltmp2:
0x19: {  	_ = 	snop;
	(pc) =	sbr.rel .LBB2_2-.Ltmp2, $4  }
0x1a: {  	_ = 	snop  }
0x1b: {  	[tilespmem:s12], [sflag:$0x2] =	stream.linear.gather [hbm4b:s7+s2], $0x5000, $0x38;
	[tilespmem:$0x1E000] =	vst v63  }
0x1c: {  	s24 =	simm.s32 $0x0  }
0x1d: {  	[tilespmem:s13], [sflag:$0x3] =	stream.linear.gather [hbm4b:s8+s2], $0x5000, $0x38;
	[tilespmem:$0x1E000] =	vst v63  }
.LBB2_14:
0x1e: {  	s24 =	sadd.s32 $0x1, s24  }
0x1f: {  	p0 =	sne.s32 s24, $0x42  }
.Ltmp3:
0x20: {  	_ = 	snop;
	(pc) =	sbr.rel @!p0 .LBB2_15-.Ltmp3, $1  }
0x21: {  	_ =	sdelay $0x3  }
.LBB2_2:
0x22: {  	s25 =	smul.u32 $0x3, s24;
	_ =	sdelay $0x1  }
0x23: {  	s26 =	sadd.s32 s5, s25  }
0x24: {  	p1 =	sgt.u32 s26, $0x1869  }
.Ltmp4:
0x25: {  	_ = 	snop;
	(pc) =	sbr.rel @p1 .LBB2_6-.Ltmp4, $2  }
0x26: {  	_ =	sdelay $0x2  }
0x27: {  	p0 =	seq.s32 s24, $0x0  }
0x28: {  	_ =	swait.ge [sflag:s14], $0x5000  }
0x29: {  	[sflag:s14] =	ssyncset.done $0x0  }
0x2a: {  	s28 =	simm.s32 @!p0 $0x4;
	[sflag:s14] =	ssyncadd.s32 $0xFFFFB000  }
0x2b: {  	_ =	swait.ge @!p0 [sflag:s28], $0x5000  }
0x2c: {  	[sflag:s28] =	ssyncset.done @!p0 $0x0  }
0x2d: {  	[sflag:s28] =	ssyncadd.s32 @!p0 $0xFFFFB000;
	s28 =	simm.s32 $0x0  }
0x2e: {  	v1 =	vld [tilespmem:s28+$0x30]  }
0x2f: {  	v2 =	vld [tilespmem:s28+$0x0]  }
0x30: {  	v0 =	vld [tilespmem:s28+$0x10]  }
0x31: {  	s29 =	simm.s32 $0x200;
	v3 =	vld [tilespmem:s28+$0x20]  }
.LBB2_4:
0x32: {  	p1 =	sne.s32 s29, $0x13E00  }
.Ltmp5:
0x33: {  	s30 =	sshra.s32 s29, $0x2;
	s29 =	sadd.s32 $0x200, s29;
	[tilespmem:s28+$0xF030] =	vst v1;
	(pc) =	sbr.rel @p1 .LBB2_4-.Ltmp5, $4  }
0x34: {  	v1 =	vld [tilespmem:s30+$0x30];
	[tilespmem:s28+$0xF000] =	vst v2  }
0x35: {  	v2 =	vld [tilespmem:s30+$0x0];
	[tilespmem:s28+$0xF010] =	vst v0  }
0x36: {  	v0 =	vld [tilespmem:s30+$0x10];
	[tilespmem:s28+$0xF020] =	vst v3;
	s28 =	smov.u32 s30  }
0x37: {  	v3 =	vld [tilespmem:s28+$0x20]  }
0x38: {  	p1 =	seq.s32 s24, $0x41  }
0x39: {  	p2 =	sgt.u32 @!p1 s26, $0x1866  }
0x3a: {  	p1 =	por p2, p1  }
0x3b: {  	s29 =	smul.u32 @!p1 $0x5000, s26  }
0x3c: {  	[tilespmem:s28+$0xF030] =	vst v1  }
0x3d: {  	[tilespmem:s28+$0xF000] =	vst v2;
	s29 =	sshrl.u32 @!p1 s29, $0x3  }
0x3e: {  	[tilespmem:s28+$0xF010] =	vst v0;
	s29 =	sadd.s32 @!p1 s3, s29  }
0x3f: {  	s31 =	smul.u32 $0xA00, s26;
	[tilespmem:s28+$0xF020] =	vst v3;
	s28 =	sadd.s32 @!p1 $0x1E00, s29;
	s29 =	simm.s32 @!p1 $0x0  }
0x40: {  	[tilespmem:s29], [sflag:$0x1] =	stream.linear.gather @!p1 [hbm4b:s28+s29], $0x5000, $0x38;
	[tilespmem:$0x1E000] =	vst v63  }
0x41: {  	s26 =	sadd.s32 s4, s31  }
0x42: {  	[hbm4b:s26+s2] =	stream.linear.scatter [tilespmem:s15], [sflag:$0x4], $0x5000, $0x38;
	[tilespmem:$0x1E000] =	vst v63  }
.LBB2_6:
0x43: {  	s26 =	sadd.s32 s25, s9;
	p1 =	seq.s32 s24, $0x41  }
0x44: {  	p2 =	sgt.u32 @!p1 s26, $0x1869  }
0x45: {  	p2 =	por p1, p2  }
.Ltmp6:
0x46: {  	_ = 	snop;
	(pc) =	sbr.rel @p2 .LBB2_10-.Ltmp6, $1  }
0x47: {  	_ =	sdelay $0x3  }
0x48: {  	_ =	swait.ge [sflag:s16], $0x5000  }
0x49: {  	[sflag:s16] =	ssyncset.done $0x0  }
0x4a: {  	s28 =	simm.s32 @!p0 $0x5;
	[sflag:s16] =	ssyncadd.s32 $0xFFFFB000  }
0x4b: {  	_ =	swait.ge @!p0 [sflag:s28], $0x5000  }
0x4c: {  	[sflag:s28] =	ssyncset.done @!p0 $0x0  }
0x4d: {  	[sflag:s28] =	ssyncadd.s32 @!p0 $0xFFFFB000;
	s28 =	simm.s32 $0x0  }
0x4e: {  	v3 =	vld [tilespmem:s28+$0x5030]  }
0x4f: {  	v1 =	vld [tilespmem:s28+$0x5000]  }
0x50: {  	v0 =	vld [tilespmem:s28+$0x5010]  }
0x51: {  	s29 =	simm.s32 $0x200;
	v2 =	vld [tilespmem:s28+$0x5020]  }
.LBB2_8:
0x52: {  	p2 =	sne.s32 s29, $0x13E00  }
.Ltmp7:
0x53: {  	s30 =	sshra.s32 s29, $0x2;
	s29 =	sadd.s32 $0x200, s29;
	[tilespmem:s28+$0x14030] =	vst v3;
	(pc) =	sbr.rel @p2 .LBB2_8-.Ltmp7, $4  }
0x54: {  	v3 =	vld [tilespmem:s30+$0x5030];
	[tilespmem:s28+$0x14000] =	vst v1  }
0x55: {  	v1 =	vld [tilespmem:s30+$0x5000];
	[tilespmem:s28+$0x14010] =	vst v0  }
0x56: {  	v0 =	vld [tilespmem:s30+$0x5010];
	[tilespmem:s28+$0x14020] =	vst v2;
	s28 =	smov.u32 s30  }
0x57: {  	v2 =	vld [tilespmem:s28+$0x5020]  }
0x58: {  	p2 =	sgt.u32 s24, $0x3F  }
0x59: {  	p3 =	sgt.u32 @!p2 s26, $0x1866  }
0x5a: {  	p2 =	por p3, p2  }
0x5b: {  	s29 =	smul.u32 @!p2 $0x5000, s26  }
0x5c: {  	[tilespmem:s28+$0x14030] =	vst v3  }
0x5d: {  	[tilespmem:s28+$0x14000] =	vst v1;
	s29 =	sshrl.u32 @!p2 s29, $0x3  }
0x5e: {  	s31 =	smul.u32 $0xA00, s26;
	[tilespmem:s28+$0x14010] =	vst v0;
	s29 =	sadd.s32 @!p2 s3, s29  }
0x5f: {  	s30 =	simm.s32 @!p2 $0x5000;
	[tilespmem:s28+$0x14020] =	vst v2;
	s28 =	simm.s32 @!p2 $0x0;
	s29 =	sadd.s32 @!p2 $0x1E00, s29  }
0x60: {  	[tilespmem:s30], [sflag:$0x2] =	stream.linear.gather @!p2 [hbm4b:s29+s28], $0x5000, $0x38;
	[tilespmem:$0x1E000] =	vst v63  }
0x61: {  	s26 =	sadd.s32 s4, s31  }
0x62: {  	[hbm4b:s26+s2] =	stream.linear.scatter [tilespmem:s17], [sflag:$0x5], $0x5000, $0x38;
	[tilespmem:$0x1E000] =	vst v63  }
.LBB2_10:
0x63: {  	s25 =	sadd.s32 s25, s10  }
0x64: {  	p2 =	sgt.u32 @!p1 s25, $0x1869  }
0x65: {  	p1 =	por p1, p2  }
.Ltmp8:
0x66: {  	_ = 	snop;
	(pc) =	sbr.rel @p1 .LBB2_14-.Ltmp8, $1  }
0x67: {  	_ =	sdelay $0x3  }
0x68: {  	_ =	swait.ge [sflag:s18], $0x5000  }
0x69: {  	[sflag:s18] =	ssyncset.done $0x0  }
0x6a: {  	s26 =	simm.s32 @!p0 $0x6;
	[sflag:s18] =	ssyncadd.s32 $0xFFFFB000  }
0x6b: {  	_ =	swait.ge @!p0 [sflag:s26], $0x5000  }
0x6c: {  	[sflag:s26] =	ssyncset.done @!p0 $0x0  }
0x6d: {  	[sflag:s26] =	ssyncadd.s32 @!p0 $0xFFFFB000;
	s26 =	simm.s32 $0x0  }
0x6e: {  	v3 =	vld [tilespmem:s26+$0xA030]  }
0x6f: {  	v1 =	vld [tilespmem:s26+$0xA000]  }
0x70: {  	v0 =	vld [tilespmem:s26+$0xA010]  }
0x71: {  	s28 =	simm.s32 $0x200;
	v2 =	vld [tilespmem:s26+$0xA020]  }
.LBB2_12:
0x72: {  	p0 =	sne.s32 s28, $0x13E00  }
.Ltmp9:
0x73: {  	s29 =	sshra.s32 s28, $0x2;
	s28 =	sadd.s32 $0x200, s28;
	[tilespmem:s26+$0x19030] =	vst v3;
	(pc) =	sbr.rel @p0 .LBB2_12-.Ltmp9, $4  }
0x74: {  	v3 =	vld [tilespmem:s29+$0xA030];
	[tilespmem:s26+$0x19000] =	vst v1  }
0x75: {  	v1 =	vld [tilespmem:s29+$0xA000];
	[tilespmem:s26+$0x19010] =	vst v0  }
0x76: {  	v0 =	vld [tilespmem:s29+$0xA010];
	[tilespmem:s26+$0x19020] =	vst v2;
	s26 =	smov.u32 s29  }
0x77: {  	v2 =	vld [tilespmem:s26+$0xA020]  }
0x78: {  	p0 =	sgt.u32 s24, $0x3F  }
0x79: {  	p1 =	sgt.u32 @!p0 s25, $0x1866  }
0x7a: {  	p0 =	por p1, p0  }
0x7b: {  	s28 =	smul.u32 @!p0 $0x5000, s25  }
0x7c: {  	[tilespmem:s26+$0x19030] =	vst v3  }
0x7d: {  	s31 =	smul.u32 $0xA00, s25;
	[tilespmem:s26+$0x19000] =	vst v1;
	s28 =	sshrl.u32 @!p0 s28, $0x3  }
.Ltmp10:
0x7e: {  	[tilespmem:s26+$0x19010] =	vst v0;
	s28 =	sadd.s32 @!p0 s3, s28;
	(pc) =	sbr.rel .LBB2_14-.Ltmp10, $4  }
0x7f: {  	s29 =	simm.s32 @!p0 $0xA000;
	[tilespmem:s26+$0x19020] =	vst v2;
	s26 =	simm.s32 @!p0 $0x0;
	s28 =	sadd.s32 @!p0 $0x1E00, s28  }
0x80: {  	[tilespmem:s29], [sflag:$0x3] =	stream.linear.gather @!p0 [hbm4b:s28+s26], $0x5000, $0x38;
	[tilespmem:$0x1E000] =	vst v63  }
0x81: {  	s25 =	sadd.s32 s4, s31  }
0x82: {  	[hbm4b:s25+s2] =	stream.linear.scatter [tilespmem:s19], [sflag:$0x6], $0x5000, $0x38;
	[tilespmem:$0x1E000] =	vst v63  }
.LBB2_16:
0x83: {  	_ =	sfence.sel $0x180000  }
0x84: {  	[bflag:$0x0] =	sbarrier.arrive $0xFFFF  }
0x85: {  	p0 =	sne.s32 s1, $0x0;
	_ =	strace $0x90000047  }
0x86: {  	s0 =	sadd.s32 @!p0 $0x100000, s0;
	[bflag:$0x2] =	sbarrier.arrive $0xFFFF  }
0x87: {  	[sflag:s0] =	ssyncadd.tile.s32 @!p0 $0x1;
	_ =	shalt  }
.Lfunc_end2:
_tile_overlayer_lowered:
.L_overlay_start_2:
0x88: {  	(tag) =	ssettag $0x2  }
0x89: {  	s0 =	rddreg [dreg:$0x0];
	s2 =	stileid.u32  }
0x8a: {  	s1 =	rddreg [dreg:$0x1];
	p0 =	sne.s32 s2, $0x0  }
0x8b: {  	s3 =	rddreg [dreg:$0x2];
	[bflag:$0x3] =	sbarrier.arrive $0xFFFF;
	s2 =	simm.s32 @!p0 $0x1C07  }
0x8c: {  	[timem:s3], [sflag:s2] =	dma.local @!p0 [hbm:s0], s1  }
0x8d: {  	s0 =	simm.s32 @!p0 $0x7  }
0x8e: {  	_ =	swait.ge @!p0 [sflag:s0], s1  }
0x8f: {  	s1 =	ssub.s32 @!p0 $0x0, s1;
	[sflag:s0] =	ssyncset.done @!p0 $0x0  }
0x90: {  	[sflag:s0] =	ssyncadd.s32 @!p0 s1  }
0x91: {  	[bflag:$0x3] =	sbarrier.arrive $0xFFFF  }
0x92: {  	_ =	shalt  }

// kernel: kernel.7.cloned.1.call-start
scs
__scs_entry_jumppad:
0x0: {  	(pc) =	sbr.rel $0x88, $3  }
0x1: {  	(tag) =	ssettag $0x0;
	lr =	simm.s32 $0x1  }
0x2: {  	[smem:$0x3F9F] =	sst lr;
	_ =	strace $0xD0000000  }
0x3: {  	_ = 	snop  }
0x4: {  	_ = 	snop  }
0x5: {  	_ = 	snop  }
0x6: {  	_ = 	snop  }
0x7: {  	_ = 	snop  }
__scs_overlays_trampoline_lowered:
0x8: {  	[smem:$0x3FAE] =	sst s0  }
0x9: {  	[smem:$0x3FAF] =	sst s1  }
0xa: {  	[smem:$0x3FB0] =	sst s2  }
0xb: {  	[smem:$0x3FB1] =	sst s3  }
0xc: {  	[smem:$0x3FB2] =	sst s4  }
0xd: {  	[smem:$0x3FB3] =	sst s5  }
0xe: {  	[smem:$0x3FB4] =	sst s6  }
0xf: {  	[smem:$0x3FB5] =	sst s7  }
0x10: {  	[smem:$0x3FB6] =	sst s8  }
0x11: {  	[smem:$0x3FB7] =	sst s9;
	s0 =	simm.s32 @!p0 $0x0  }
0x12: {  	s1 =	sld [smem:$0x3F9D];
	s0 =	simm.s32 @p0 $0x1  }
0x13: {  	[smem:$0x3FB8] =	sst s0;
	s0 =	simm.s32 @!p1 $0x0  }
0x14: {  	s2 =	sld [smem:$0x3F9C];
	s0 =	simm.s32 @p1 $0x1  }
0x15: {  	[smem:$0x3FB9] =	sst s0;
	s0 =	simm.s32 @!p2 $0x0  }
0x16: {  	s3 =	sld [smem:$0x3FDB];
	s0 =	simm.s32 @p2 $0x1  }
0x17: {  	s4 =	simm.s32 $0x1BF5;
	[smem:$0x3FBB] =	sst s0  }
0x18: {  	s0 =	sld [smem:$0x3F9E];
	_ =	swait.ge [sflag:s4], $0x0  }
0x19: {  	s7 =	sld [smem:$0x3F9F]  }
0x1a: {  	s8 =	sadd.s32 $0xFFFFE003, lr  }
0x1b: {  	s9 =	sadd.s32 $0xFFFFFEF7, lr;
	s5 =	simm.s32 $0xFFFFFFFF;
	p2 =	slt.u32 s8, $0xFFFFF086  }
0x1c: {  	p1 =	slt.u32 s9, $0xF7A;
	s5 =	simm.s32 @!p2 $0x0  }
0x1d: {  	s5 =	simm.s32 @p1 $0x1;
	p0 =	seq.s32 s7, s2  }
0x1e: {  	s7 =	smul.u32 @!p0 $0xF7A, s2;
	p2 =	seq.s32 @!p0 s5, $0x0  }
0x1f: {  	s9 =	smul.u32 $0xF7A, s1;
	s8 =	simm.s32 @!p0 $0x1BF5;
	p2 =	por !p2, p0  }
0x20: {  	[sflag:s8] =	ssyncset.s32 @!p0 $0xFFFFF086;
	s6 =	sadd.s32 @!p0 s3, s7;
	s7 =	simm.s32 @!p0 $0x108  }
0x21: {  	s3 =	sadd.s32 s3, s9;
	s6 =	sadd.s32 @!p0 $0x88, s6;
	s7 =	simm.s32 @p2 $0x1082  }
0x22: {  	[simem:s7], [sflag:s8] =	dma.local @!p0 [hbm:s6], $0xF7A  }
0x23: {  	s9 =	sor.u32 $0xD0000000, s2;
	s6 =	simm.s32 $0x108;
	_ =	swait.ge @!p0 [sflag:s8], $0x0  }
0x24: {  	s3 =	sadd.s32 $0x88, s3;
	s6 =	simm.s32 @!p1 $0x1082;
	[sflag:s4] =	ssyncset.s32 $0xFFFFF086  }
0x25: {  	[simem:s6], [sflag:s4] =	dma.local [hbm:s3], $0xF7A  }
0x26: {  	[smem:$0x3F9F] =	sst s1;
	(tag) =	ssettag s2;
	_ =	strace s9  }
0x27: {  	s1 =	sld [smem:$0x3FAF]  }
0x28: {  	s2 =	sld [smem:$0x3FB0]  }
0x29: {  	s4 =	sld [smem:$0x3FB2]  }
0x2a: {  	p0 =	seq.s32 s5, $0x0;
	s5 =	sld [smem:$0x3FB3]  }
0x2b: {  	s6 =	sld [smem:$0x3FB4]  }
0x2c: {  	s7 =	sld [smem:$0x3FB5]  }
0x2d: {  	s3 =	simm.s32 $0x108;
	s8 =	sld [smem:$0x3FB6]  }
0x2e: {  	s3 =	simm.s32 @!p0 $0x1082;
	s9 =	sld [smem:$0x3FB7]  }
0x2f: {  	lr =	sadd.s32 s0, s3;
	s0 =	sld [smem:$0x3FAE]  }
0x30: {  	s3 =	sld [smem:$0x3FB1]  }
0x31: {  	[smem:$0x3FBA] =	sst s10  }
0x32: {  	s10 =	sld [smem:$0x3FB8];
	_ =	sdelay $0x3  }
0x33: {  	p0 =	seq.s32 s10, $0x1;
	s10 =	sld [smem:$0x3FBA];
	_ =	sdelay $0x3  }
0x34: {  	[smem:$0x3FBA] =	sst s10  }
0x35: {  	s10 =	sld [smem:$0x3FB9];
	_ =	sdelay $0x3  }
0x36: {  	p1 =	seq.s32 s10, $0x1;
	s10 =	sld [smem:$0x3FBA];
	_ =	sdelay $0x3  }
0x37: {  	[smem:$0x3FBA] =	sst s10  }
0x38: {  	s10 =	sld [smem:$0x3FBB]  }
0x39: {  	_ = 	snop;
	(pc) =	sbr.ind lr, $3  }
0x3a: {  	_ = 	snop  }
0x3b: {  	_ = 	snop  }
0x3c: {  	p2 =	seq.s32 s10, $0x1;
	s10 =	sld [smem:$0x3FBA]  }
0x3d: {  	_ =	shalt  }
0x3e: {  	_ =	shalt  }
0x3f: {  	_ =	shalt  }
0x40: {  	_ =	shalt  }
0x41: {  	_ =	shalt  }
0x42: {  	_ =	shalt  }
0x43: {  	_ =	shalt  }
0x44: {  	_ =	shalt  }
0x45: {  	_ =	shalt  }
0x46: {  	_ =	shalt  }
0x47: {  	_ =	shalt  }
0x48: {  	_ =	shalt  }
0x49: {  	_ =	shalt  }
0x4a: {  	_ =	shalt  }
0x4b: {  	_ =	shalt  }
0x4c: {  	_ =	shalt  }
0x4d: {  	_ =	shalt  }
0x4e: {  	_ =	shalt  }
0x4f: {  	_ =	shalt  }
0x50: {  	_ =	shalt  }
0x51: {  	_ =	shalt  }
0x52: {  	_ =	shalt  }
0x53: {  	_ =	shalt  }
0x54: {  	_ =	shalt  }
0x55: {  	_ =	shalt  }
0x56: {  	_ =	shalt  }
0x57: {  	_ =	shalt  }
0x58: {  	_ =	shalt  }
0x59: {  	_ =	shalt  }
0x5a: {  	_ =	shalt  }
0x5b: {  	_ =	shalt  }
0x5c: {  	_ =	shalt  }
0x5d: {  	_ =	shalt  }
0x5e: {  	_ =	shalt  }
0x5f: {  	_ =	shalt  }
0x60: {  	_ =	shalt  }
0x61: {  	_ =	shalt  }
0x62: {  	_ =	shalt  }
0x63: {  	_ =	shalt  }
0x64: {  	_ =	shalt  }
0x65: {  	_ =	shalt  }
0x66: {  	_ =	shalt  }
0x67: {  	_ =	shalt  }
0x68: {  	_ =	shalt  }
0x69: {  	_ =	shalt  }
0x6a: {  	_ =	shalt  }
0x6b: {  	_ =	shalt  }
0x6c: {  	_ =	shalt  }
0x6d: {  	_ =	shalt  }
0x6e: {  	_ =	shalt  }
0x6f: {  	_ =	shalt  }
0x70: {  	_ =	shalt  }
0x71: {  	_ =	shalt  }
0x72: {  	_ =	shalt  }
0x73: {  	_ =	shalt  }
0x74: {  	_ =	shalt  }
0x75: {  	_ =	shalt  }
0x76: {  	_ =	shalt  }
0x77: {  	_ =	shalt  }
0x78: {  	_ =	shalt  }
0x79: {  	_ =	shalt  }
0x7a: {  	_ =	shalt  }
0x7b: {  	_ =	shalt  }
0x7c: {  	_ =	shalt  }
0x7d: {  	_ =	shalt  }
0x7e: {  	_ =	shalt  }
0x7f: {  	_ =	shalt  }
0x80: {  	_ =	shalt  }
0x81: {  	_ =	shalt  }
0x82: {  	_ =	shalt  }
0x83: {  	_ =	shalt  }
0x84: {  	_ =	shalt  }
0x85: {  	_ =	shalt  }
0x86: {  	_ =	shalt  }
0x87: {  	_ =	shalt  }
.Lfunc_end0:
.L_simem_size_0:
called_computation.2_lowered:
.L_overlay_start_0:
0x88: {  	s2 =	sld [smem:$0x3FD9]  }
0x89: {  	s3 =	sld [smem:$0x3FFE];
	_ =	sdelay $0x1  }
0x8a: {  	s1 =	srdreg.scid  }
0x8b: {  	s0 =	sand.u32 $0x1, s1  }
0x8c: {  	s17 =	sshll.u32 s0, $0xA;
	s2 =	sadd.s32 s3, s2  }
0x8d: {  	s2 =	sadd.s32 s2, s17  }
0x8e: {  	[smem:$0x3FC6] =	sst s2  }
0x8f: {  	_ = 	snop  }
0x90: {  	s2 =	sld [smem:$0x3FD0];
	(tm) =	ssettm $0x1  }
0x91: {  	s18 =	sld [smem:$0x3FFB];
	_ =	sdelay $0x3  }
0x92: {  	_ =	strace s18  }
0x93: {  	s3 =	sld [smem:$0x3FFC];
	_ =	sdelay $0x3  }
0x94: {  	_ =	strace s3  }
0x95: {  	s3 =	sld [smem:$0x3FFD];
	_ =	sdelay $0x3  }
0x96: {  	_ =	strace s3  }
0x97: {  	_ =	strace $0x8FFFFFFF  }
0x98: {  	s19 =	sld [smem:$0x3FDB];
	_ =	sdelay $0x1  }
0x99: {  	s4 =	simm.s32 $_scs_section_size  }
0x9a: {  	s5 =	simm.s32 $_size__tile_overlayer_lowered;
	s6 =	simm.s32 $_tile_overlayer_lowered  }
0x9b: {  	s22 =	simm.s32 $0x1BFF;
	s21 =	sshll.u32 s6, $0x1;
	s3 =	sadd.s32 s4, s19  }
0x9c: {  	s7 =	simm.s32 $0x0;
	s20 =	sshll.u32 s5, $0x1;
	s5 =	sadd.s32 s21, s3  }
0x9d: {  	[timem:s7], [sflag:s22] =	dma.local [hbm:s5], s20  }
0x9e: {  	_ =	swait.ge [sflag:s22], s20  }
0x9f: {  	s4 =	ssub.s32 $0x0, s20;
	[sflag:s22] =	ssyncset.done $0x0  }
0xa0: {  	[sflag:s22] =	ssyncadd.s32 s4;
	_ =	sdelay $0x1  }
0xa1: {  	s23 =	simm.s32 $0x1B8B  }
0xa2: {  	_ =	swait.ge [sflag:s23], $0x1  }
0xa3: {  	[sflag:s23] =	ssyncset.done $0x0  }
0xa4: {  	s25 =	simm.s32 $0x1B8E;
	s24 =	sld [smem:$0x3FFE];
	[sflag:s23] =	ssyncadd.s32 $0xFFFFFFFF  }
0xa5: {  	s26 =	simm.s32 $execute0_lowered;
	[smem:$0x3FD2] =	sst s25  }
0xa6: {  	s5 =	sshll.u32 s26, $0x1;
	_ =	strace $0x80000049;
	[dreg:$0x1] =	wrdreg $0xFFFFFFFF  }
0xa7: {  	s28 =	simm.s32 $_size_execute0_lowered;
	s3 =	sadd.s32 s3, s5;
	[dreg:$0x0] =	wrdreg $0x0  }
0xa8: {  	s5 =	sshll.u32 s28, $0x1;
	[dreg:$0x2] =	wrdreg s3  }
0xa9: {  	[dreg:$0x3] =	wrdreg s5  }
0xaa: {  	[dreg:$0x4] =	wrdreg $0xC0  }
0xab: {  	_ =	task [dreg:s7], $0x5FFFF  }
0xac: {  	[dreg:$0x1] =	wrdreg $0xFFFFFFFF  }
0xad: {  	[dreg:$0x0] =	wrdreg $0x60  }
0xae: {  	[dreg:$0x2] =	wrdreg s24  }
0xaf: {  	[dreg:$0x3] =	wrdreg s2  }
0xb0: {  	[dreg:$0x4] =	wrdreg $0x9  }
0xb1: {  	_ =	task.clear_ibuf [dreg:s7], $0x5FFFF;
	_ =	strace $0x90000049  }
0xb2: {  	s29 =	simm.s32 $0x9;
	_ =	strace $0x8000004B  }
0xb3: {  	_ =	swait.ge [sflag:s29], $0x1  }
0xb4: {  	[sflag:s29] =	ssyncadd.s32 $0xFFFFFFFF  }
0xb5: {  	_ =	strace $0x9000004B  }
0xb6: {  	_ =	sfence  }
0xb7: {  	s30 =	sld [smem:$0x0];
	_ =	sdelay $0x2  }
0xb8: {  	s31 =	sshll.u32 s1, $0xD;
	s1 =	sshrl.u32 s1, $0x2  }
0xb9: {  	s3 =	sand.u32 $0x4000, s31;
	s1 =	sadd.s32 s1, s30  }
0xba: {  	s0 =	sor.u32 s3, s0;
	s1 =	sshll.u32 s1, $0x11  }
0xbb: {  	s0 =	sor.u32 s1, s0  }
0xbc: {  	s0 =	sadd.s32 $0x8F2B, s0  }
0xbd: {  	[sflag:s0] =	ssyncadd.remote.s32 $0x1  }
0xbe: {  	_ =	sfence.sel $0xFFFF  }
0xbf: {  	[dreg:$0x0] =	wrdreg $0xFFFFFFFF;
	(pc) =	sbr.abs _section_cstart, $3  }
0xc0: {  	[dreg:$0x1] =	wrdreg $0xFFFFFFFF  }
0xc1: {  	_ =	task.clear_ibuf [dreg:s7], $0x2FFFF;
	_ =	strace $0x9FFFFFFF  }
0xc2: {  	(tm) =	ssettm $0x7FFFFFFF  }
0xc3: {  	_ =	shalt  }
tec
execute0_lowered:
.L_overlay_start_1:
0x0: {  	(tag) =	ssettag $0x1  }
0x1: {  	s0 =	rddreg [dreg:$0x0]  }
0x2: {  	s1 =	rddreg [dreg:$0x1];
	s3 =	srdreg.scid  }
0x3: {  	s4 =	stileid.u32;
	s2 =	simm.s32 $0x0;
	s11 =	simm.s32 $0x7  }
0x4: {  	s12 =	simm.s32 $0x80;
	s13 =	simm.s32 $0x6400;
	s15 =	simm.s32 $0x100  }
0x5: {  	s16 =	simm.s32 $0xE400;
	s17 =	simm.s32 $0x180;
	s18 =	simm.s32 $0x12400  }
0x6: {  	s19 =	simm.s32 $0x1;
	s20 =	simm.s32 $0x16400;
	s21 =	simm.s32 $0x2  }
0x7: {  	s22 =	simm.s32 $0x6;
	s3 =	sand.u32 $0x1, s3;
	s4 =	sshll.u32 s4, $0x1  }
0x8: {  	s23 =	simm.s32 $0x1A400;
	s24 =	simm.s32 $0x3;
	s4 =	sor.u32 s3, s4  }
0x9: {  	s25 =	simm.s32 $0x5;
	s26 =	simm.s32 $0x4;
	s7 =	smul.u32 $0xC80, s4  }
.Ltmp0:
0xa: {  	s28 =	simm.s32 $0x0;
	[smem:$0x7FF] =	sst s2;
	(pc) =	sbr.rel .LBB2_1-.Ltmp0, $4  }
0xb: {  	s5 =	sadd.s32 $0xE00, s0;
	s6 =	ssub.s32 $0x2, s3;
	s4 =	smul.u32 $0xC8, s4  }
0xc: {  	_ =	strace $0x8000004A;
	s3 =	sadd.s32 $0xF43200, s0;
	s8 =	sshrl.u32 s6, $0x1  }
0xd: {  	s31 =	ssub.s32 s6, s8;
	s6 =	sadd.s32 s1, s7;
	s7 =	sor.u32 $0x1, s4  }
0xe: {  	s8 =	sor.u32 $0x2, s4;
	s9 =	sor.u32 $0x3, s4;
	s10 =	smax.u32 s31, $0x1  }
.LBB2_16:
0xf: {  	s28 =	sadd.s32 $0x1, s28  }
0x10: {  	_ =	swait.ge [sflag:s25], $0x4000;
	p0 =	sne.s32 s28, s10  }
.Ltmp1:
0x11: {  	[sflag:s25] =	ssyncset.done $0x0;
	(pc) =	sbr.rel @!p0 .LBB2_17-.Ltmp1, $4  }
0x12: {  	[sflag:s25] =	ssyncadd.s32 $0xFFFFC000  }
0x13: {  	_ =	swait.ge [sflag:s22], $0x4000  }
0x14: {  	[sflag:s22] =	ssyncset.done $0x0  }
0x15: {  	[sflag:s22] =	ssyncadd.s32 $0xFFFFC000  }
.LBB2_1:
0x16: {  	[tilespmem:s2], [sflag:$0x7] =	stream.linear.gather [hbm4b:s6+s2], $0x6400, $0x38;
	[tilespmem:$0x1E400] =	vst v63  }
0x17: {  	_ =	swait.ge [sflag:s11], $0x6400  }
0x18: {  	[sflag:s11] =	ssyncset.done $0x0  }
0x19: {  	[sflag:s11] =	ssyncadd.s32 $0xFFFF9C00  }
0x1a: {  	[tilespmem:s13], [sflag:$0x1] =	stream.indirect.gather [hbm4b:s3+s12], $0x80, s2, s12, $0xb8;
	[tilespmem:$0x1E400] =	vst v63  }
0x1b: {  	s0 =	simm.s32 $0xA400  }
0x1c: {  	[tilespmem:s0], [sflag:$0x2] =	stream.indirect.gather [hbm4b:s3+s12], $0x80, s12, s12, $0xb8;
	[tilespmem:$0x1E400] =	vst v63  }
0x1d: {  	_ = 	snop  }
0x1e: {  	[tilespmem:s16], [sflag:$0x3] =	stream.indirect.gather [hbm4b:s3+s12], $0x80, s15, s12, $0xb8;
	[tilespmem:$0x1E400] =	vst v63  }
0x1f: {  	s29 =	simm.s32 $0x0  }
0x20: {  	[tilespmem:s18], [sflag:$0x4] =	stream.indirect.gather [hbm4b:s3+s12], $0x80, s17, s12, $0xb8;
	[tilespmem:$0x1E400] =	vst v63  }
.LBB2_2:
0x21: {  	_ =	swait.ge [sflag:s19], $0x4000  }
0x22: {  	p0 =	seq.s32 s29, $0x0;
	[sflag:s19] =	ssyncset.done $0x0  }
0x23: {  	s0 =	simm.s32 @!p0 $0x5;
	[sflag:s19] =	ssyncadd.s32 $0xFFFFC000  }
0x24: {  	_ =	swait.ge @!p0 [sflag:s0], $0x4000  }
0x25: {  	[sflag:s0] =	ssyncset.done @!p0 $0x0  }
0x26: {  	s31 =	simm.s32 $0x0;
	[sflag:s0] =	ssyncadd.s32 @!p0 $0xFFFFC000  }
0x27: {  	v0 =	vld [tilespmem:s31+$0x6430]  }
0x28: {  	v1 =	vld [tilespmem:s31+$0x6400]  }
0x29: {  	v3 =	vld [tilespmem:s31+$0x6410]  }
0x2a: {  	v2 =	vld [tilespmem:s31+$0x6420]  }
0x2b: {  	s30 =	sshll.u32 s29, $0x2;
	s0 =	simm.s32 $0x200  }
.LBB2_3:
0x2c: {  	s1 =	sshra.s32 s0, $0x2;
	p1 =	sne.s32 s0, $0xFE00;
	s0 =	sadd.s32 $0x200, s0;
	v4 =	vmul.f32 $8.000000000e+00, v0  }
.Ltmp2:
0x2d: {  	v0 =	vld [tilespmem:s1+$0x6430];
	v5 =	vmul.f32 $8.000000000e+00, v1;
	(pc) =	sbr.rel @p1 .LBB2_3-.Ltmp2, $4  }
0x2e: {  	v1 =	vld [tilespmem:s1+$0x6400];
	v6 =	vmul.f32 $8.000000000e+00, v3;
	[tilespmem:s31+$0x16430] =	vst v4  }
0x2f: {  	v3 =	vld [tilespmem:s1+$0x6410];
	[tilespmem:s31+$0x16400] =	vst v5;
	v4 =	vmul.f32 $8.000000000e+00, v2  }
0x30: {  	v2 =	vld [tilespmem:s1+$0x6420];
	[tilespmem:s31+$0x16410] =	vst v6  }
0x31: {  	[tilespmem:s31+$0x16420] =	vst v4;
	s31 =	smov.u32 s1  }
0x32: {  	v0 =	vmul.f32 $8.000000000e+00, v0  }
0x33: {  	p1 =	sne.s32 s29, $0x31;
	v1 =	vmul.f32 $8.000000000e+00, v1  }
.Ltmp3:
0x34: {  	v3 =	vmul.f32 $8.000000000e+00, v3;
	[tilespmem:s31+$0x16430] =	vst v0;
	(pc) =	sbr.rel @p1 .LBB2_6-.Ltmp3, $4  }
0x35: {  	s0 =	sadd.s32 s4, s30;
	[tilespmem:s31+$0x16400] =	vst v1;
	v63 =	vmul.f32 $8.000000000e+00, v2  }
0x36: {  	s0 =	sshll.u32 s0, $0xB;
	[tilespmem:s31+$0x16410] =	vst v3  }
0x37: {  	s0 =	sadd.s32 s5, s0;
	[tilespmem:s31+$0x16420] =	vst v63  }
0x38: {  	[hbm4b:s0+s2] =	stream.linear.scatter [tilespmem:s20], [sflag:$0x5], $0x4000, $0x38;
	[tilespmem:$0x1E400] =	vst v63  }
.Ltmp4:
0x39: {  	(pc) =	sbr.rel .LBB2_7-.Ltmp4, $4  }
0x3a: {  	_ = 	snop  }
0x3b: {  	_ =	swait.ge [sflag:s21], $0x4000  }
0x3c: {  	[sflag:s21] =	ssyncset.done $0x0  }
0x3d: {  	[sflag:s21] =	ssyncadd.s32 $0xFFFFC000  }
.LBB2_6:
0x3e: {  	s0 =	sshll.u32 s29, $0x9  }
0x3f: {  	s0 =	sand.u32 $0x3FFFFE00, s0  }
.Ltmp5:
0x40: {  	s0 =	sadd.s32 $0x200, s0;
	(pc) =	sbr.rel @p0 .LBB2_8-.Ltmp5, $4  }
0x41: {  	[tilespmem:s13], [sflag:$0x1] =	stream.indirect.gather [hbm4b:s3+s12], $0x80, s0, s12, $0xb8;
	[tilespmem:$0x1E400] =	vst v63  }
0x42: {  	_ =	swait.ge [sflag:s21], $0x4000  }
0x43: {  	[sflag:s21] =	ssyncset.done $0x0  }
0x44: {  	[sflag:s21] =	ssyncadd.s32 $0xFFFFC000  }
.LBB2_7:
0x45: {  	_ =	swait.ge [sflag:s22], $0x4000  }
0x46: {  	[sflag:s22] =	ssyncset.done $0x0  }
0x47: {  	[sflag:s22] =	ssyncadd.s32 $0xFFFFC000  }
.LBB2_8:
0x48: {  	s31 =	simm.s32 $0x0  }
0x49: {  	v1 =	vld [tilespmem:s31+$0xA430]  }
0x4a: {  	v2 =	vld [tilespmem:s31+$0xA400]  }
0x4b: {  	v3 =	vld [tilespmem:s31+$0xA410]  }
0x4c: {  	v0 =	vld [tilespmem:s31+$0xA420]  }
0x4d: {  	s0 =	simm.s32 $0x200  }
.LBB2_9:
0x4e: {  	s1 =	sshra.s32 s0, $0x2;
	p0 =	sne.s32 s0, $0xFE00;
	s0 =	sadd.s32 $0x200, s0;
	v4 =	vmul.f32 $8.000000000e+00, v1  }
.Ltmp6:
0x4f: {  	v1 =	vld [tilespmem:s1+$0xA430];
	v5 =	vmul.f32 $8.000000000e+00, v2;
	(pc) =	sbr.rel @p0 .LBB2_9-.Ltmp6, $4  }
0x50: {  	v2 =	vld [tilespmem:s1+$0xA400];
	v6 =	vmul.f32 $8.000000000e+00, v3;
	[tilespmem:s31+$0x1A430] =	vst v4  }
0x51: {  	v3 =	vld [tilespmem:s1+$0xA410];
	[tilespmem:s31+$0x1A400] =	vst v5;
	v4 =	vmul.f32 $8.000000000e+00, v0  }
0x52: {  	v0 =	vld [tilespmem:s1+$0xA420];
	[tilespmem:s31+$0x1A410] =	vst v6  }
0x53: {  	[tilespmem:s31+$0x1A420] =	vst v4;
	s31 =	smov.u32 s1  }
0x54: {  	v1 =	vmul.f32 $8.000000000e+00, v1  }
0x55: {  	v2 =	vmul.f32 $8.000000000e+00, v2  }
0x56: {  	s0 =	sadd.s32 s30, s7;
	v3 =	vmul.f32 $8.000000000e+00, v3;
	[tilespmem:s31+$0x1A430] =	vst v1  }
0x57: {  	s0 =	sshll.u32 s0, $0xB;
	[tilespmem:s31+$0x1A400] =	vst v2;
	v0 =	vmul.f32 $8.000000000e+00, v0  }
0x58: {  	s0 =	sand.u32 $0x1FFFE800, s0;
	[tilespmem:s31+$0x1A410] =	vst v3  }
0x59: {  	p0 =	seq.s32 s29, $0x31;
	s0 =	sadd.s32 s5, s0;
	[tilespmem:s31+$0x1A420] =	vst v0  }
0x5a: {  	[hbm4b:s0+s2] =	stream.linear.scatter [tilespmem:s23], [sflag:$0x6], $0x4000, $0x38;
	[tilespmem:$0x1E400] =	vst v63  }
0x5b: {  	s0 =	sshll.u32 @!p0 s29, $0x9  }
0x5c: {  	s31 =	sand.u32 @!p0 $0x3FFFFE00, s0  }
0x5d: {  	s1 =	simm.s32 @!p0 $0x80;
	s14 =	simm.s32 @!p0 $0xA400;
	s0 =	sadd.s32 @!p0 $0x280, s31  }
0x5e: {  	[tilespmem:s14], [sflag:$0x2] =	stream.indirect.gather @!p0 [hbm4b:s3+s1], $0x80, s0, s1, $0xb8;
	[tilespmem:$0x1E400] =	vst v63  }
0x5f: {  	_ =	swait.ge [sflag:s24], $0x4000  }
0x60: {  	[sflag:s24] =	ssyncset.done $0x0  }
0x61: {  	[sflag:s24] =	ssyncadd.s32 $0xFFFFC000  }
0x62: {  	_ =	swait.ge [sflag:s25], $0x4000  }
0x63: {  	[sflag:s25] =	ssyncset.done $0x0  }
0x64: {  	s0 =	simm.s32 $0x0;
	[sflag:s25] =	ssyncadd.s32 $0xFFFFC000  }
0x65: {  	v1 =	vld [tilespmem:s0+$0xE430]  }
0x66: {  	v2 =	vld [tilespmem:s0+$0xE400]  }
0x67: {  	v3 =	vld [tilespmem:s0+$0xE410]  }
0x68: {  	v0 =	vld [tilespmem:s0+$0xE420]  }
0x69: {  	s1 =	simm.s32 $0x200  }
.LBB2_11:
0x6a: {  	s14 =	sshra.s32 s1, $0x2;
	p1 =	sne.s32 s1, $0xFE00;
	s1 =	sadd.s32 $0x200, s1;
	v4 =	vmul.f32 $8.000000000e+00, v1  }
.Ltmp7:
0x6b: {  	v1 =	vld [tilespmem:s14+$0xE430];
	v5 =	vmul.f32 $8.000000000e+00, v2;
	(pc) =	sbr.rel @p1 .LBB2_11-.Ltmp7, $4  }
0x6c: {  	v2 =	vld [tilespmem:s14+$0xE400];
	v6 =	vmul.f32 $8.000000000e+00, v3;
	[tilespmem:s0+$0x16430] =	vst v4  }
0x6d: {  	v3 =	vld [tilespmem:s14+$0xE410];
	[tilespmem:s0+$0x16400] =	vst v5;
	v4 =	vmul.f32 $8.000000000e+00, v0  }
0x6e: {  	v0 =	vld [tilespmem:s14+$0xE420];
	[tilespmem:s0+$0x16410] =	vst v6  }
0x6f: {  	[tilespmem:s0+$0x16420] =	vst v4;
	s0 =	smov.u32 s14  }
0x70: {  	v1 =	vmul.f32 $8.000000000e+00, v1  }
0x71: {  	v2 =	vmul.f32 $8.000000000e+00, v2  }
0x72: {  	s1 =	sadd.s32 s30, s8;
	v3 =	vmul.f32 $8.000000000e+00, v3;
	[tilespmem:s0+$0x16430] =	vst v1  }
0x73: {  	s1 =	sshll.u32 s1, $0xB;
	[tilespmem:s0+$0x16400] =	vst v2;
	v0 =	vmul.f32 $8.000000000e+00, v0  }
0x74: {  	s1 =	sand.u32 $0x1FFFF000, s1;
	[tilespmem:s0+$0x16410] =	vst v3  }
0x75: {  	s14 =	sadd.s32 s5, s1;
	[tilespmem:s0+$0x16420] =	vst v0  }
0x76: {  	[hbm4b:s14+s2] =	stream.linear.scatter [tilespmem:s20], [sflag:$0x5], $0x4000, $0x38;
	[tilespmem:$0x1E400] =	vst v63  }
0x77: {  	s1 =	simm.s32 @!p0 $0x80;
	s0 =	sadd.s32 @!p0 $0x300, s31;
	s14 =	simm.s32 @!p0 $0xE400  }
0x78: {  	[tilespmem:s14], [sflag:$0x3] =	stream.indirect.gather @!p0 [hbm4b:s3+s1], $0x80, s0, s1, $0xb8;
	[tilespmem:$0x1E400] =	vst v63  }
0x79: {  	_ =	swait.ge [sflag:s26], $0x4000  }
0x7a: {  	[sflag:s26] =	ssyncset.done $0x0  }
0x7b: {  	[sflag:s26] =	ssyncadd.s32 $0xFFFFC000  }
0x7c: {  	_ =	swait.ge [sflag:s22], $0x4000  }
0x7d: {  	[sflag:s22] =	ssyncset.done $0x0  }
0x7e: {  	s0 =	simm.s32 $0x0;
	[sflag:s22] =	ssyncadd.s32 $0xFFFFC000  }
0x7f: {  	v1 =	vld [tilespmem:s0+$0x12430]  }
0x80: {  	v2 =	vld [tilespmem:s0+$0x12400]  }
0x81: {  	v3 =	vld [tilespmem:s0+$0x12410]  }
0x82: {  	v0 =	vld [tilespmem:s0+$0x12420]  }
0x83: {  	s1 =	simm.s32 $0x200  }
.LBB2_13:
0x84: {  	s14 =	sshra.s32 s1, $0x2;
	p1 =	sne.s32 s1, $0xFE00;
	s1 =	sadd.s32 $0x200, s1;
	v4 =	vmul.f32 $8.000000000e+00, v1  }
.Ltmp8:
0x85: {  	v1 =	vld [tilespmem:s14+$0x12430];
	v5 =	vmul.f32 $8.000000000e+00, v2;
	(pc) =	sbr.rel @p1 .LBB2_13-.Ltmp8, $4  }
0x86: {  	v2 =	vld [tilespmem:s14+$0x12400];
	v6 =	vmul.f32 $8.000000000e+00, v3;
	[tilespmem:s0+$0x1A430] =	vst v4  }
0x87: {  	v3 =	vld [tilespmem:s14+$0x12410];
	[tilespmem:s0+$0x1A400] =	vst v5;
	v4 =	vmul.f32 $8.000000000e+00, v0  }
0x88: {  	v0 =	vld [tilespmem:s14+$0x12420];
	[tilespmem:s0+$0x1A410] =	vst v6  }
0x89: {  	[tilespmem:s0+$0x1A420] =	vst v4;
	s0 =	smov.u32 s14  }
0x8a: {  	v1 =	vmul.f32 $8.000000000e+00, v1  }
0x8b: {  	v2 =	vmul.f32 $8.000000000e+00, v2  }
.Ltmp9:
0x8c: {  	s1 =	sadd.s32 s30, s9;
	v3 =	vmul.f32 $8.000000000e+00, v3;
	[tilespmem:s0+$0x1A430] =	vst v1;
	(pc) =	sbr.rel @p0 .LBB2_16-.Ltmp9, $4  }
0x8d: {  	s1 =	sshll.u32 s1, $0xB;
	[tilespmem:s0+$0x1A400] =	vst v2;
	v0 =	vmul.f32 $8.000000000e+00, v0  }
0x8e: {  	s1 =	sand.u32 $0x1FFFF800, s1;
	[tilespmem:s0+$0x1A410] =	vst v3  }
0x8f: {  	s31 =	sadd.s32 s5, s1;
	[tilespmem:s0+$0x1A420] =	vst v0  }
0x90: {  	[hbm4b:s31+s2] =	stream.linear.scatter [tilespmem:s23], [sflag:$0x6], $0x4000, $0x38;
	[tilespmem:$0x1E400] =	vst v63  }
.Ltmp10:
0x91: {  	(pc) =	sbr.rel .LBB2_2-.Ltmp10, $4  }
0x92: {  	s0 =	sshll.u32 s29, $0x9  }
0x93: {  	s0 =	sand.u32 $0x3FFFFE00, s0  }
0x94: {  	s29 =	sadd.s32 $0x1, s29;
	s0 =	sadd.s32 $0x380, s0  }
0x95: {  	[tilespmem:s18], [sflag:$0x4] =	stream.indirect.gather [hbm4b:s3+s12], $0x80, s0, s12, $0xb8;
	[tilespmem:$0x1E400] =	vst v63  }
.LBB2_17:
0x96: {  	_ =	sfence.sel $0x180000  }
0x97: {  	[bflag:$0x0] =	sbarrier.arrive $0xFFFF  }
0x98: {  	_ =	strace $0x9000004A  }
0x99: {  	s0 =	stileid.u32;
	[bflag:$0x2] =	sbarrier.arrive $0xFFFF  }
0x9a: {  	p0 =	sne.s32 s0, $0x0;
	s0 =	rddreg [dreg:$0x2]  }
0x9b: {  	s0 =	sadd.s32 @!p0 $0x100000, s0  }
0x9c: {  	[sflag:s0] =	ssyncadd.tile.s32 @!p0 $0x1;
	_ =	shalt  }
.Lfunc_end2:
_tile_overlayer_lowered:
.L_overlay_start_2:
0x9d: {  	(tag) =	ssettag $0x2  }
0x9e: {  	s0 =	rddreg [dreg:$0x0];
	s2 =	stileid.u32  }
0x9f: {  	s1 =	rddreg [dreg:$0x1];
	p0 =	sne.s32 s2, $0x0  }
0xa0: {  	s3 =	rddreg [dreg:$0x2];
	[bflag:$0x3] =	sbarrier.arrive $0xFFFF;
	s2 =	simm.s32 @!p0 $0x1C07  }
0xa1: {  	[timem:s3], [sflag:s2] =	dma.local @!p0 [hbm:s0], s1  }
0xa2: {  	s0 =	simm.s32 @!p0 $0x7  }
0xa3: {  	_ =	swait.ge @!p0 [sflag:s0], s1  }
0xa4: {  	s1 =	ssub.s32 @!p0 $0x0, s1;
	[sflag:s0] =	ssyncset.done @!p0 $0x0  }
0xa5: {  	[sflag:s0] =	ssyncadd.s32 @!p0 s1  }
0xa6: {  	[bflag:$0x3] =	sbarrier.arrive $0xFFFF  }
0xa7: {  	_ =	shalt  }

// kernel: sparse-core-data-format-call.cloned.1.call-start
scs
called_computation_lowered:
.L_overlay_start_0:
0x0: {  	s2 =	sld [smem:$0x3FD9]  }
0x1: {  	s3 =	sld [smem:$0x3FFE];
	_ =	sdelay $0x1  }
0x2: {  	s1 =	srdreg.scid  }
0x3: {  	s0 =	sand.u32 $0x1, s1  }
0x4: {  	s18 =	sshll.u32 s0, $0xA;
	s2 =	sadd.s32 s3, s2  }
0x5: {  	s2 =	sadd.s32 s2, s18  }
0x6: {  	[smem:$0x3FC6] =	sst s2  }
0x7: {  	_ = 	snop  }
0x8: {  	s2 =	sld [smem:$0x3FD0];
	(tm) =	ssettm $0x1  }
0x9: {  	s19 =	sld [smem:$0x3FFB];
	_ =	sdelay $0x3  }
0xa: {  	_ =	strace s19  }
0xb: {  	s3 =	sld [smem:$0x3FFC];
	_ =	sdelay $0x3  }
0xc: {  	_ =	strace s3  }
0xd: {  	s3 =	sld [smem:$0x3FFD];
	_ =	sdelay $0x3  }
0xe: {  	_ =	strace s3  }
0xf: {  	_ =	strace $0x8FFFFFFF  }
0x10: {  	s20 =	sld [smem:$0x3FDB];
	_ =	sdelay $0x1  }
0x11: {  	s4 =	simm.s32 $_scs_section_size  }
0x12: {  	s5 =	simm.s32 $_size__tile_overlayer_lowered;
	s6 =	simm.s32 $_tile_overlayer_lowered  }
0x13: {  	s23 =	simm.s32 $0x1BFF;
	s22 =	sshll.u32 s6, $0x1;
	s3 =	sadd.s32 s4, s20  }
0x14: {  	s7 =	simm.s32 $0x0;
	s21 =	sshll.u32 s5, $0x1;
	s5 =	sadd.s32 s22, s3  }
0x15: {  	[timem:s7], [sflag:s23] =	dma.local [hbm:s5], s21  }
0x16: {  	_ =	swait.ge [sflag:s23], s21  }
0x17: {  	s4 =	ssub.s32 $0x0, s21;
	[sflag:s23] =	ssyncset.done $0x0  }
0x18: {  	[sflag:s23] =	ssyncadd.s32 s4;
	_ =	sdelay $0x1  }
0x19: {  	s24 =	simm.s32 $0x1B8B  }
0x1a: {  	_ =	swait.ge [sflag:s24], $0x1  }
0x1b: {  	[sflag:s24] =	ssyncset.done $0x0  }
0x1c: {  	s26 =	simm.s32 $0x1B8E;
	s25 =	sld [smem:$0x3FFE];
	[sflag:s24] =	ssyncadd.s32 $0xFFFFFFFF  }
0x1d: {  	s27 =	simm.s32 $execute0_lowered;
	[smem:$0x3FD2] =	sst s26  }
0x1e: {  	s5 =	sshll.u32 s27, $0x1;
	_ =	strace $0x8000004C;
	[dreg:$0x1] =	wrdreg $0xFFFFFFFF  }
0x1f: {  	s28 =	simm.s32 $_size_execute0_lowered;
	s3 =	sadd.s32 s3, s5;
	[dreg:$0x0] =	wrdreg $0x0  }
0x20: {  	s5 =	sshll.u32 s28, $0x1;
	[dreg:$0x2] =	wrdreg s3  }
0x21: {  	[dreg:$0x3] =	wrdreg s5  }
0x22: {  	[dreg:$0x4] =	wrdreg $0xC0  }
0x23: {  	_ =	task [dreg:s7], $0x5FFFF  }
0x24: {  	[dreg:$0x1] =	wrdreg $0xFFFFFFFF  }
0x25: {  	[dreg:$0x0] =	wrdreg $0x60  }
0x26: {  	[dreg:$0x2] =	wrdreg s25  }
0x27: {  	[dreg:$0x3] =	wrdreg s2  }
0x28: {  	[dreg:$0x4] =	wrdreg $0x9  }
0x29: {  	_ =	task.clear_ibuf [dreg:s7], $0x5FFFF;
	_ =	strace $0x9000004C  }
0x2a: {  	s29 =	simm.s32 $0x9;
	_ =	strace $0x8000004E  }
0x2b: {  	_ =	swait.ge [sflag:s29], $0x1  }
0x2c: {  	[sflag:s29] =	ssyncadd.s32 $0xFFFFFFFF  }
0x2d: {  	_ =	strace $0x9000004E  }
0x2e: {  	_ =	sfence  }
0x2f: {  	s30 =	sld [smem:$0x0];
	_ =	sdelay $0x2  }
0x30: {  	s31 =	sshll.u32 s1, $0xD;
	s1 =	sshrl.u32 s1, $0x2  }
0x31: {  	s3 =	sand.u32 $0x4000, s31;
	s1 =	sadd.s32 s1, s30  }
0x32: {  	s0 =	sor.u32 s3, s0;
	s1 =	sshll.u32 s1, $0x11  }
0x33: {  	s0 =	sor.u32 s1, s0  }
0x34: {  	s0 =	sadd.s32 $0x8F2B, s0  }
0x35: {  	[sflag:s0] =	ssyncadd.remote.s32 $0x1  }
0x36: {  	_ =	sfence.sel $0xFFFF  }
0x37: {  	[dreg:$0x0] =	wrdreg $0xFFFFFFFF;
	(pc) =	sbr.abs _section_cstart, $3  }
0x38: {  	[dreg:$0x1] =	wrdreg $0xFFFFFFFF  }
0x39: {  	_ =	task.clear_ibuf [dreg:s7], $0x2FFFF;
	_ =	strace $0x9FFFFFFF  }
0x3a: {  	(tm) =	ssettm $0x7FFFFFFF  }
0x3b: {  	_ =	shalt  }
tec
execute0_lowered:
.L_overlay_start_1:
0x0: {  	(tag) =	ssettag $0x1  }
0x1: {  	s0 =	srdreg.scid  }
0x2: {  	s1 =	sshll.u32 s0, $0x4  }
0x3: {  	s0 =	stileid.u32;
	s1 =	sand.u32 $0x10, s1  }
0x4: {  	s1 =	sor.u32 s0, s1  }
0x5: {  	s6 =	rddreg [dreg:$0x0];
	s4 =	simm.s32 $0x1;
	s2 =	sshll.u32 s1, $0x7  }
0x6: {  	s7 =	simm.s32 $0x2;
	s12 =	simm.s32 $0x0;
	s1 =	ssub.s32 $0x1000, s2  }
0x7: {  	s8 =	simm.s32 $0x8000;
	s13 =	simm.s32 $0x0;
	s3 =	sand.u32 $0xF80, s1  }
0x8: {  	s9 =	simm.s32 $0x0;
	s5 =	sshrl.u32 s1, $0xC;
	p0 =	sne.s32 s3, $0x0  }
.Ltmp0:
0x9: {  	s1 =	rddreg [dreg:$0x2];
	s4 =	simm.s32 @!p0 $0x0;
	(pc) =	sbr.rel .LBB1_1-.Ltmp0, $4  }
0xa: {  	s11 =	simm.s32 $0x0;
	s3 =	rddreg [dreg:$0x1];
	s5 =	sadd.s32 s4, s5  }
0xb: {  	_ =	strace $0x8000004D;
	s4 =	simm.s32 $0x1;
	s5 =	smul.u32 $0xC8, s5  }
0xc: {  	s6 =	sadd.s32 $0xE00, s6;
	s10 =	smov.u32 s2;
	[sflag:s4] =	ssyncpa.u1 $0x0  }
0xd: {  	p0 =	por $0x0, $0x0;
	[sflag:s7] =	ssyncpa.u1 $0x0;
	s7 =	sor.u32 $0x1, s5  }
.LBB1_4:
0xe: {  	s16 =	sshll.u32 s13, $0x3;
	s17 =	sand.u32 $0x78, s13  }
0xf: {  	s30 =	sand.u32 $0x7E00, s13;
	s12 =	sshll.u32 s12, $0xF;
	s16 =	sand.u32 $0xC00, s16  }
0x10: {  	[tilespmem:s15+$0x810 ss:$0x81] =	vst.msk $0xffff, v2;
	s31 =	sand.u32 $0x7, s13;
	s16 =	sor.u32 s17, s16;
	s17 =	sadd.s32 s3, s30  }
0x11: {  	[tilespmem:s15+$0x1020 ss:$0x81] =	vst.msk $0xffff, v0;
	s13 =	sshll.u32 s31, $0x12;
	s12 =	sadd.s32 s12, s17;
	s16 =	sshrl.u32 s16, $0x3  }
0x12: {  	[tilespmem:s15+$0x0 ss:$0x81] =	vst.msk $0xffff, v1;
	s13 =	sor.u32 $0x400, s13;
	s12 =	sadd.s32 s16, s12  }
0x13: {  	[hbm4b:s12+s13] =	stream.strided.scatter [tilespmem:s14], [sflag:$0x2], $0x2000, s8, s13, $0x20;
	[tilespmem:$0x8080] =	vst v63  }
.LBB1_5:
0x14: {  	s14 =	sadd.s32 $0x1, s9  }
0x15: {  	s12 =	sadd.s32 $0x1000, s10;
	s16 =	smov.u32 s10;
	p2 =	sgt.s32 s14, $0xC7  }
0x16: {  	s16 =	smov.u32 @p2 s12  }
0x17: {  	s14 =	simm.s32 @p2 $0x0;
	p2 =	sgt.s32 s16, $0xFFF  }
0x18: {  	s16 =	smov.u32 @p2 s2;
	p2 =	sne.s32 s11, s7  }
.Ltmp1:
0x19: {  	p1 =	slt.u32 s11, $0x2;
	(pc) =	sbr.rel @!p2 .LBB1_6-.Ltmp1, $4  }
0x1a: {  	s15 =	simm.s32 @!p1 $0x2  }
0x1b: {  	s13 =	smov.u32 s10;
	p0 =	por !p0, !p0;
	_ =	swait.ge @!p1 [sflag:s15], $0x2000  }
0x1c: {  	s12 =	smov.u32 s9;
	[sflag:s15] =	ssyncset.done @!p1 $0x0;
	s9 =	smov.u32 s14  }
0x1d: {  	s11 =	sadd.s32 $0x1, s11;
	[sflag:s15] =	ssyncadd.s32 @!p1 $0xFFFFE000;
	s10 =	smov.u32 s16  }
.LBB1_1:
0x1e: {  	p1 =	sge.u32 s11, s5  }
0x1f: {  	s14 =	sand.u32 @!p1 $0x1FFFFFF, s9  }
0x20: {  	s15 =	smulhi.u32 @!p1 $0x147AE15, s14;
	_ =	sdelay $0x1  }
0x21: {  	s15 =	smul.u32 @!p1 $0xC8, s15  }
0x22: {  	s16 =	sxor.u32 @!p1 $0xFFFFFFFF, s11;
	s17 =	smul.u32 @!p1 $0xC80, s10  }
0x23: {  	s31 =	sadd.s32 $0xFFFFFFFF, s11;
	s16 =	sshll.u32 @!p1 s16, $0xD;
	s14 =	ssub.s32 @!p1 s14, s15  }
0x24: {  	s15 =	sand.u32 @!p1 $0x2000, s16;
	s16 =	sadd.s32 @!p1 s6, s17;
	s14 =	sshll.u32 @!p1 s14, $0x4  }
0x25: {  	s17 =	simm.s32 @!p1 $0x6400;
	s14 =	sadd.s32 @!p1 s14, s16;
	s16 =	simm.s32 @!p1 $0x40  }
0x26: {  	[tilespmem:s15], [sflag:$0x1] =	stream.strided.gather @!p1 [hbm4b:s14+s16], $0x2000, s17, s16, $0x38;
	[tilespmem:$0x8080] =	vst v63  }
0x27: {  	p1 =	sge.u32 s31, s5  }
.Ltmp2:
0x28: {  	_ = 	snop;
	(pc) =	sbr.rel @p1 .LBB1_5-.Ltmp2, $1  }
0x29: {  	_ =	sdelay $0x3  }
0x2a: {  	s14 =	simm.s32 $0x1  }
0x2b: {  	_ =	swait.ge [sflag:s4], $0x2000;
	s14 =	simm.s32 @!p0 $0x0  }
0x2c: {  	[sflag:s4] =	ssyncset.done $0x0;
	s15 =	sshll.u32 s14, $0xD  }
0x2d: {  	[sflag:s4] =	ssyncadd.s32 $0xFFFFE000;
	s18 =	sor.u32 $0x20, s15  }
0x2e: {  	s14 =	smul.u32 $0x8100, s14;
	v3 =	vld [tilespmem:s18+$0x10]  }
0x2f: {  	s30 =	sand.u32 $0x1, s11;
	v2 =	vld [tilespmem:s18+$0xFFFFFFF0]  }
0x30: {  	s15 =	smul.u32 $0x8100, s30;
	s14 =	sshrl.u32 s14, $0x2;
	v0 =	vld [tilespmem:s18+$0x0]  }
0x31: {  	v1 =	vld [tilespmem:s18+$0xFFFFFFE0];
	s16 =	sor.u32 $0x4000, s14  }
0x32: {  	s31 =	sshrl.u32 s15, $0x2;
	s15 =	sadd.s32 $0x0, s16  }
0x33: {  	s17 =	simm.s32 $0x4;
	s18 =	sadd.s32 $0x40, s18;
	s14 =	sor.u32 $0x4000, s31;
	[tilespmem:s15+$0x1830 ss:$0x81] =	vst.msk $0xffff, v3  }
.LBB1_3:
0x34: {  	v3 =	vld [tilespmem:s18+$0x10];
	p1 =	sne.s32 s17, $0x1FC;
	[tilespmem:s15+$0x810 ss:$0x81] =	vst.msk $0xffff, v2;
	s19 =	smov.u32 s17;
	s17 =	sadd.s32 $0x4, s17  }
.Ltmp3:
0x35: {  	v2 =	vld [tilespmem:s18+$0xFFFFFFF0];
	[tilespmem:s15+$0x1020 ss:$0x81] =	vst.msk $0xffff, v0;
	(pc) =	sbr.rel @p1 .LBB1_3-.Ltmp3, $4  }
0x36: {  	v0 =	vld [tilespmem:s18+$0x0];
	[tilespmem:s15+$0x0 ss:$0x81] =	vst.msk $0xffff, v1  }
0x37: {  	s15 =	sshra.s32 s19, $0x2;
	v1 =	vld [tilespmem:s18+$0xFFFFFFE0]  }
0x38: {  	s15 =	sadd.s32 s15, s16  }
0x39: {  	s18 =	sadd.s32 $0x40, s18;
	[tilespmem:s15+$0x1830 ss:$0x81] =	vst.msk $0xffff, v3  }
.Ltmp4:
0x3a: {  	_ = 	snop;
	(pc) =	sbr.rel .LBB1_4-.Ltmp4, $1  }
0x3b: {  	_ =	sdelay $0x3  }
.LBB1_6:
0x3c: {  	_ =	sfence.sel $0x180000  }
0x3d: {  	s2 =	simm.s32 $0x1;
	[bflag:$0x0] =	sbarrier.arrive $0xFFFF  }
0x3e: {  	s31 =	simm.s32 $0x2;
	[sflag:s2] =	ssyncpa.u1 $0x1  }
0x3f: {  	[sflag:s31] =	ssyncpa.u1 $0x1  }
0x40: {  	p0 =	sne.s32 s0, $0x0;
	_ =	strace $0x9000004D  }
0x41: {  	s0 =	sadd.s32 @!p0 $0x100000, s1;
	[bflag:$0x2] =	sbarrier.arrive $0xFFFF  }
0x42: {  	[sflag:s0] =	ssyncadd.tile.s32 @!p0 $0x1;
	_ =	shalt  }
.Lfunc_end1:
_tile_overlayer_lowered:
.L_overlay_start_2:
0x43: {  	(tag) =	ssettag $0x2  }
0x44: {  	s0 =	rddreg [dreg:$0x0];
	s2 =	stileid.u32  }
0x45: {  	s1 =	rddreg [dreg:$0x1];
	p0 =	sne.s32 s2, $0x0  }
0x46: {  	s3 =	rddreg [dreg:$0x2];
	[bflag:$0x3] =	sbarrier.arrive $0xFFFF;
	s2 =	simm.s32 @!p0 $0x1C01  }
0x47: {  	[timem:s3], [sflag:s2] =	dma.local @!p0 [hbm:s0], s1  }
0x48: {  	s0 =	simm.s32 @!p0 $0x1  }
0x49: {  	_ =	swait.ge @!p0 [sflag:s0], s1  }
0x4a: {  	s1 =	ssub.s32 @!p0 $0x0, s1;
	[sflag:s0] =	ssyncset.done @!p0 $0x0  }
0x4b: {  	[sflag:s0] =	ssyncadd.s32 @!p0 s1  }
0x4c: {  	[bflag:$0x3] =	sbarrier.arrive $0xFFFF  }
0x4d: {  	_ =	shalt  }

</sc_bundles>
